<compile_context>
chip_gen: v7x
topology: tpu7x:2x2x1
jax: 0.10.2.dev20260603
libtpu: 0.0.44.dev20260713+nightly
codegen_flags: <defaults>
</compile_context>

<pallas_src>
import jax
import jax.numpy as jnp
from jax import lax
from jax.experimental import pallas as pl
from jax.experimental.pallas import tpu as pltpu
from jax.experimental.pallas import tpu_sc as plsc

EMBED_DIM = 128
BATCH = 16384
HIST = 50

NC = 2
NS = 16
NW = NC * NS

TOTAL = BATCH * HIST
GROUP = 64
NGROUPS = TOTAL // NW // GROUP
NBUF = 8


def _body(x2d_hbm, table_hbm, out_hbm, idx_v, *scratch):
    rows = scratch[:NBUF]
    gsems = scratch[NBUF : 2 * NBUF]
    ssems = scratch[2 * NBUF :]
    wid = lax.axis_index("s") * NC + lax.axis_index("c")
    gbase = wid * NGROUPS
    pltpu.sync_copy(x2d_hbm.at[pl.ds(gbase, NGROUPS)], idx_v)

    def gather(g, b):
        pltpu.async_copy(table_hbm.at[idx_v.at[g]], rows[b], gsems[b])

    def gwait(b):
        pltpu.make_async_copy(table_hbm.at[pl.ds(0, GROUP)], rows[b], gsems[b]).wait()

    def store(g, b):
        pltpu.async_copy(rows[b], out_hbm.at[pl.ds((gbase + g) * GROUP, GROUP)], ssems[b])

    def swait(b):
        pltpu.make_async_copy(rows[b], out_hbm.at[pl.ds(gbase * GROUP, GROUP)], ssems[b]).wait()

    for b in range(NBUF):
        gather(b, b)

    def epoch(e, carry):
        g0 = e * NBUF
        for b in range(NBUF):
            gwait(b)
            store(g0 + b, b)
        for b in range(NBUF):
            swait(b)
            gather(g0 + NBUF + b, b)
        return carry

    lax.fori_loop(0, NGROUPS // NBUF - 1, epoch, 0, unroll=False)

    for b in range(NBUF):
        gwait(b)
        store(NGROUPS - NBUF + b, b)
    for b in range(NBUF):
        swait(b)


@jax.jit
def _lookup(x2d, table):
    mesh = plsc.VectorSubcoreMesh(
        core_axis_name="c", subcore_axis_name="s", num_cores=NC, num_subcores=NS
    )
    return pl.kernel(
        _body,
        out_type=jax.ShapeDtypeStruct((TOTAL, EMBED_DIM), jnp.float32),
        mesh=mesh,
        scratch_types=(
            [pltpu.VMEM((NGROUPS, GROUP), jnp.int32)]
            + [pltpu.VMEM((GROUP, EMBED_DIM), jnp.float32)] * NBUF
            + [pltpu.SemaphoreType.DMA] * (2 * NBUF)
        ),
    )(x2d, table)


def kernel(x, table):
    xt = x.T.reshape(TOTAL // GROUP, GROUP)
    out = _lookup(xt, table)
    return out.reshape(HIST, BATCH, EMBED_DIM).transpose(1, 0, 2)

# --- scband reference (transcript-rebuilt; emitter-appended) ---
"""Pipeline reference for scband-embedding-table-6743098655217 (READ-ONLY COPY).

The authoritative reference and input builder live on the scoring server;
editing this copy changes nothing except your own understanding.
"""

import jax, jax.numpy as jnp
import numpy as np

VOCAB = 100000
EMBED_DIM = 128
BATCH = 16384
HIST = 50

def setup_inputs(seed: int = 0) -> dict:
    key = jax.random.key(seed)
    k1, k2 = jax.random.split(key)
    x = jax.random.randint(k1, (BATCH, HIST), 0, VOCAB, dtype=jnp.int64 if jax.config.jax_enable_x64 else jnp.int32).astype(jnp.int32)
    table = jax.random.normal(k2, (VOCAB, EMBED_DIM), dtype=jnp.float32)
    return {"x": x, "table": table}

def reference(x, table):
    # nn.Embedding forward: row gather from the embedding table
    return jnp.take(table, x, axis=0)

if __name__ == "__main__":
    import jax
    _d = setup_inputs()
    print(jax.jit(kernel)(*tuple(_d.values())))

</pallas_src>

<mosaic_0001>
#map = affine_map<(d0, d1) -> (0, 0)>
module attributes {stable_mosaic.version = 14 : i64} {
  func.func @_body(%arg0: i32, %arg1: i32, %arg2: memref<12800x64xi32, #tpu.memory_space<hbm>>, %arg3: memref<100000x128xf32, #tpu.memory_space<hbm>>, %arg4: memref<819200x128xf32, #tpu.memory_space<hbm>>, %arg5: memref<400x64xi32, #tpu.memory_space<vmem>>, %arg6: memref<64x128xf32, #tpu.memory_space<vmem>>, %arg7: memref<64x128xf32, #tpu.memory_space<vmem>>, %arg8: memref<64x128xf32, #tpu.memory_space<vmem>>, %arg9: memref<64x128xf32, #tpu.memory_space<vmem>>, %arg10: memref<64x128xf32, #tpu.memory_space<vmem>>, %arg11: memref<64x128xf32, #tpu.memory_space<vmem>>, %arg12: memref<64x128xf32, #tpu.memory_space<vmem>>, %arg13: memref<64x128xf32, #tpu.memory_space<vmem>>, %arg14: memref<!tpu.dma_semaphore, #tpu.memory_space<semaphore_mem>>, %arg15: memref<!tpu.dma_semaphore, #tpu.memory_space<semaphore_mem>>, %arg16: memref<!tpu.dma_semaphore, #tpu.memory_space<semaphore_mem>>, %arg17: memref<!tpu.dma_semaphore, #tpu.memory_space<semaphore_mem>>, %arg18: memref<!tpu.dma_semaphore, #tpu.memory_space<semaphore_mem>>, %arg19: memref<!tpu.dma_semaphore, #tpu.memory_space<semaphore_mem>>, %arg20: memref<!tpu.dma_semaphore, #tpu.memory_space<semaphore_mem>>, %arg21: memref<!tpu.dma_semaphore, #tpu.memory_space<semaphore_mem>>, %arg22: memref<!tpu.dma_semaphore, #tpu.memory_space<semaphore_mem>>, %arg23: memref<!tpu.dma_semaphore, #tpu.memory_space<semaphore_mem>>, %arg24: memref<!tpu.dma_semaphore, #tpu.memory_space<semaphore_mem>>, %arg25: memref<!tpu.dma_semaphore, #tpu.memory_space<semaphore_mem>>, %arg26: memref<!tpu.dma_semaphore, #tpu.memory_space<semaphore_mem>>, %arg27: memref<!tpu.dma_semaphore, #tpu.memory_space<semaphore_mem>>, %arg28: memref<!tpu.dma_semaphore, #tpu.memory_space<semaphore_mem>>, %arg29: memref<!tpu.dma_semaphore, #tpu.memory_space<semaphore_mem>>) attributes {dimension_semantics = [#tpu.dimension_semantics<core_parallel>, #tpu.dimension_semantics<subcore_parallel>], iteration_bounds = array<i64: 2, 16>, scalar_prefetch = 0 : i64, scratch_operands = 25 : i64, tpu.core_type = #tpu.core_type<sc_vector_subcore>, window_params = [{transform_indices = #map}, {transform_indices = #map}, {transform_indices = #map}]} {
    %mul3A = arith.constant 2 : i32
    %mul3A_0 = arith.muli %arg1, %mul3A : i32
    %add3A = arith.addi %mul3A_0, %arg0 : i32
    %mul3A_1 = arith.constant 400 : i32
    %mul3A_2 = arith.muli %add3A, %mul3A_1 : i32
    "tpu.region"() ({
      %run_scoped3A = tpu.sem_alloc : memref<!tpu.dma_semaphore, #tpu.memory_space<semaphore_mem>>
      %dma_start3A_222 = arith.constant 0 : i32
      %dma_start3A_223 = tpu.memref_slice %arg2[%mul3A_2, %dma_start3A_222] : memref<12800x64xi32, #tpu.memory_space<hbm>> -> memref<400x64xi32, #tpu.memory_space<hbm>>
      %dma_start3A_224 = arith.constant 0 : i32
      %dma_start3A_225 = tpu.memref_slice %arg2[%mul3A_2, %dma_start3A_224] : memref<12800x64xi32, #tpu.memory_space<hbm>> -> memref<400x64xi32, #tpu.memory_space<hbm>>
      tpu.enqueue_dma source(%dma_start3A_225 : memref<400x64xi32, #tpu.memory_space<hbm>>) target(%arg5 : memref<400x64xi32, #tpu.memory_space<vmem>>) target_semaphore(%run_scoped3A : memref<!tpu.dma_semaphore, #tpu.memory_space<semaphore_mem>>)
      %dma_wait3A_226 = arith.constant 0 : i32
      %dma_wait3A_227 = tpu.memref_slice %arg2[%mul3A_2, %dma_wait3A_226] : memref<12800x64xi32, #tpu.memory_space<hbm>> -> memref<400x64xi32, #tpu.memory_space<hbm>>
      %dma_wait3A_228 = arith.constant 0 : i32
      %dma_wait3A_229 = tpu.memref_slice %arg2[%mul3A_2, %dma_wait3A_228] : memref<12800x64xi32, #tpu.memory_space<hbm>> -> memref<400x64xi32, #tpu.memory_space<hbm>>
      tpu.wait_dma2 semaphore(%run_scoped3A : memref<!tpu.dma_semaphore, #tpu.memory_space<semaphore_mem>>) src(%dma_wait3A_229 : memref<400x64xi32, #tpu.memory_space<hbm>>) dst(%arg5 : memref<400x64xi32, #tpu.memory_space<vmem>>)
      tpu.yield
    }) : () -> ()
    %dma_start3A = arith.constant 0 : i32
    %dma_start3A_3 = arith.constant 0 : i32
    %dma_start3A_4 = tpu.memref_slice %arg5[%dma_start3A, %dma_start3A_3] : memref<400x64xi32, #tpu.memory_space<vmem>> -> memref<1x64xi32, #tpu.memory_space<vmem>>
    %dma_start3A_5 = tpu.memref_squeeze %dma_start3A_4 : memref<1x64xi32, #tpu.memory_space<vmem>> -> memref<64xi32, #tpu.memory_space<vmem>>
    %dma_start3A_6 = arith.constant 0 : i32
    %dma_start3A_7 = arith.constant 0 : i32
    %dma_start3A_8 = tpu.memref_slice %arg3[%dma_start3A_6, %dma_start3A_7] : memref<100000x128xf32, #tpu.memory_space<hbm>> -> memref<100000x128xf32, #tpu.memory_space<hbm>>
    tpu.enqueue_indirect_dma source(%dma_start3A_8 : memref<100000x128xf32, #tpu.memory_space<hbm>>) target(%arg6 : memref<64x128xf32, #tpu.memory_space<vmem>>) offsets(%dma_start3A_5 : memref<64xi32, #tpu.memory_space<vmem>>) semaphore(%arg14 : memref<!tpu.dma_semaphore, #tpu.memory_space<semaphore_mem>>)
    %dma_start3A_9 = arith.constant 1 : i32
    %dma_start3A_10 = arith.constant 0 : i32
    %dma_start3A_11 = tpu.memref_slice %arg5[%dma_start3A_9, %dma_start3A_10] : memref<400x64xi32, #tpu.memory_space<vmem>> -> memref<1x64xi32, #tpu.memory_space<vmem>>
    %dma_start3A_12 = tpu.memref_squeeze %dma_start3A_11 : memref<1x64xi32, #tpu.memory_space<vmem>> -> memref<64xi32, #tpu.memory_space<vmem>>
    %dma_start3A_13 = arith.constant 0 : i32
    %dma_start3A_14 = arith.constant 0 : i32
    %dma_start3A_15 = tpu.memref_slice %arg3[%dma_start3A_13, %dma_start3A_14] : memref<100000x128xf32, #tpu.memory_space<hbm>> -> memref<100000x128xf32, #tpu.memory_space<hbm>>
    tpu.enqueue_indirect_dma source(%dma_start3A_15 : memref<100000x128xf32, #tpu.memory_space<hbm>>) target(%arg7 : memref<64x128xf32, #tpu.memory_space<vmem>>) offsets(%dma_start3A_12 : memref<64xi32, #tpu.memory_space<vmem>>) semaphore(%arg15 : memref<!tpu.dma_semaphore, #tpu.memory_space<semaphore_mem>>)
    %dma_start3A_16 = arith.constant 2 : i32
    %dma_start3A_17 = arith.constant 0 : i32
    %dma_start3A_18 = tpu.memref_slice %arg5[%dma_start3A_16, %dma_start3A_17] : memref<400x64xi32, #tpu.memory_space<vmem>> -> memref<1x64xi32, #tpu.memory_space<vmem>>
    %dma_start3A_19 = tpu.memref_squeeze %dma_start3A_18 : memref<1x64xi32, #tpu.memory_space<vmem>> -> memref<64xi32, #tpu.memory_space<vmem>>
    %dma_start3A_20 = arith.constant 0 : i32
    %dma_start3A_21 = arith.constant 0 : i32
    %dma_start3A_22 = tpu.memref_slice %arg3[%dma_start3A_20, %dma_start3A_21] : memref<100000x128xf32, #tpu.memory_space<hbm>> -> memref<100000x128xf32, #tpu.memory_space<hbm>>
    tpu.enqueue_indirect_dma source(%dma_start3A_22 : memref<100000x128xf32, #tpu.memory_space<hbm>>) target(%arg8 : memref<64x128xf32, #tpu.memory_space<vmem>>) offsets(%dma_start3A_19 : memref<64xi32, #tpu.memory_space<vmem>>) semaphore(%arg16 : memref<!tpu.dma_semaphore, #tpu.memory_space<semaphore_mem>>)
    %dma_start3A_23 = arith.constant 3 : i32
    %dma_start3A_24 = arith.constant 0 : i32
    %dma_start3A_25 = tpu.memref_slice %arg5[%dma_start3A_23, %dma_start3A_24] : memref<400x64xi32, #tpu.memory_space<vmem>> -> memref<1x64xi32, #tpu.memory_space<vmem>>
    %dma_start3A_26 = tpu.memref_squeeze %dma_start3A_25 : memref<1x64xi32, #tpu.memory_space<vmem>> -> memref<64xi32, #tpu.memory_space<vmem>>
    %dma_start3A_27 = arith.constant 0 : i32
    %dma_start3A_28 = arith.constant 0 : i32
    %dma_start3A_29 = tpu.memref_slice %arg3[%dma_start3A_27, %dma_start3A_28] : memref<100000x128xf32, #tpu.memory_space<hbm>> -> memref<100000x128xf32, #tpu.memory_space<hbm>>
    tpu.enqueue_indirect_dma source(%dma_start3A_29 : memref<100000x128xf32, #tpu.memory_space<hbm>>) target(%arg9 : memref<64x128xf32, #tpu.memory_space<vmem>>) offsets(%dma_start3A_26 : memref<64xi32, #tpu.memory_space<vmem>>) semaphore(%arg17 : memref<!tpu.dma_semaphore, #tpu.memory_space<semaphore_mem>>)
    %dma_start3A_30 = arith.constant 4 : i32
    %dma_start3A_31 = arith.constant 0 : i32
    %dma_start3A_32 = tpu.memref_slice %arg5[%dma_start3A_30, %dma_start3A_31] : memref<400x64xi32, #tpu.memory_space<vmem>> -> memref<1x64xi32, #tpu.memory_space<vmem>>
    %dma_start3A_33 = tpu.memref_squeeze %dma_start3A_32 : memref<1x64xi32, #tpu.memory_space<vmem>> -> memref<64xi32, #tpu.memory_space<vmem>>
    %dma_start3A_34 = arith.constant 0 : i32
    %dma_start3A_35 = arith.constant 0 : i32
    %dma_start3A_36 = tpu.memref_slice %arg3[%dma_start3A_34, %dma_start3A_35] : memref<100000x128xf32, #tpu.memory_space<hbm>> -> memref<100000x128xf32, #tpu.memory_space<hbm>>
    tpu.enqueue_indirect_dma source(%dma_start3A_36 : memref<100000x128xf32, #tpu.memory_space<hbm>>) target(%arg10 : memref<64x128xf32, #tpu.memory_space<vmem>>) offsets(%dma_start3A_33 : memref<64xi32, #tpu.memory_space<vmem>>) semaphore(%arg18 : memref<!tpu.dma_semaphore, #tpu.memory_space<semaphore_mem>>)
    %dma_start3A_37 = arith.constant 5 : i32
    %dma_start3A_38 = arith.constant 0 : i32
    %dma_start3A_39 = tpu.memref_slice %arg5[%dma_start3A_37, %dma_start3A_38] : memref<400x64xi32, #tpu.memory_space<vmem>> -> memref<1x64xi32, #tpu.memory_space<vmem>>
    %dma_start3A_40 = tpu.memref_squeeze %dma_start3A_39 : memref<1x64xi32, #tpu.memory_space<vmem>> -> memref<64xi32, #tpu.memory_space<vmem>>
    %dma_start3A_41 = arith.constant 0 : i32
    %dma_start3A_42 = arith.constant 0 : i32
    %dma_start3A_43 = tpu.memref_slice %arg3[%dma_start3A_41, %dma_start3A_42] : memref<100000x128xf32, #tpu.memory_space<hbm>> -> memref<100000x128xf32, #tpu.memory_space<hbm>>
    tpu.enqueue_indirect_dma source(%dma_start3A_43 : memref<100000x128xf32, #tpu.memory_space<hbm>>) target(%arg11 : memref<64x128xf32, #tpu.memory_space<vmem>>) offsets(%dma_start3A_40 : memref<64xi32, #tpu.memory_space<vmem>>) semaphore(%arg19 : memref<!tpu.dma_semaphore, #tpu.memory_space<semaphore_mem>>)
    %dma_start3A_44 = arith.constant 6 : i32
    %dma_start3A_45 = arith.constant 0 : i32
    %dma_start3A_46 = tpu.memref_slice %arg5[%dma_start3A_44, %dma_start3A_45] : memref<400x64xi32, #tpu.memory_space<vmem>> -> memref<1x64xi32, #tpu.memory_space<vmem>>
    %dma_start3A_47 = tpu.memref_squeeze %dma_start3A_46 : memref<1x64xi32, #tpu.memory_space<vmem>> -> memref<64xi32, #tpu.memory_space<vmem>>
    %dma_start3A_48 = arith.constant 0 : i32
    %dma_start3A_49 = arith.constant 0 : i32
    %dma_start3A_50 = tpu.memref_slice %arg3[%dma_start3A_48, %dma_start3A_49] : memref<100000x128xf32, #tpu.memory_space<hbm>> -> memref<100000x128xf32, #tpu.memory_space<hbm>>
    tpu.enqueue_indirect_dma source(%dma_start3A_50 : memref<100000x128xf32, #tpu.memory_space<hbm>>) target(%arg12 : memref<64x128xf32, #tpu.memory_space<vmem>>) offsets(%dma_start3A_47 : memref<64xi32, #tpu.memory_space<vmem>>) semaphore(%arg20 : memref<!tpu.dma_semaphore, #tpu.memory_space<semaphore_mem>>)
    %dma_start3A_51 = arith.constant 7 : i32
    %dma_start3A_52 = arith.constant 0 : i32
    %dma_start3A_53 = tpu.memref_slice %arg5[%dma_start3A_51, %dma_start3A_52] : memref<400x64xi32, #tpu.memory_space<vmem>> -> memref<1x64xi32, #tpu.memory_space<vmem>>
    %dma_start3A_54 = tpu.memref_squeeze %dma_start3A_53 : memref<1x64xi32, #tpu.memory_space<vmem>> -> memref<64xi32, #tpu.memory_space<vmem>>
    %dma_start3A_55 = arith.constant 0 : i32
    %dma_start3A_56 = arith.constant 0 : i32
    %dma_start3A_57 = tpu.memref_slice %arg3[%dma_start3A_55, %dma_start3A_56] : memref<100000x128xf32, #tpu.memory_space<hbm>> -> memref<100000x128xf32, #tpu.memory_space<hbm>>
    tpu.enqueue_indirect_dma source(%dma_start3A_57 : memref<100000x128xf32, #tpu.memory_space<hbm>>) target(%arg13 : memref<64x128xf32, #tpu.memory_space<vmem>>) offsets(%dma_start3A_54 : memref<64xi32, #tpu.memory_space<vmem>>) semaphore(%arg21 : memref<!tpu.dma_semaphore, #tpu.memory_space<semaphore_mem>>)
    %scan3A = arith.constant 0 : i32
    %scan3A_58 = arith.constant 0 : i32
    %scan3A_59 = arith.constant 49 : i32
    %scan3A_60 = arith.addi %scan3A_58, %scan3A_59 : i32
    %scan3A_61 = arith.constant 1 : i32
    scf.for %scan3A_222 = %scan3A_58 to %scan3A_60 step %scan3A_61  : i32 {
      %mul3A_223 = arith.constant 8 : i32
      %mul3A_224 = arith.muli %scan3A_222, %mul3A_223 : i32
      %dma_wait3A_225 = arith.constant 0 : i32
      %dma_wait3A_226 = arith.constant 0 : i32
      %dma_wait3A_227 = tpu.memref_slice %arg3[%dma_wait3A_225, %dma_wait3A_226] : memref<100000x128xf32, #tpu.memory_space<hbm>> -> memref<64x128xf32, #tpu.memory_space<hbm>>
      %dma_wait3A_228 = arith.constant 0 : i32
      %dma_wait3A_229 = arith.constant 0 : i32
      %dma_wait3A_230 = tpu.memref_slice %arg3[%dma_wait3A_228, %dma_wait3A_229] : memref<100000x128xf32, #tpu.memory_space<hbm>> -> memref<64x128xf32, #tpu.memory_space<hbm>>
      tpu.wait_dma2 semaphore(%arg14 : memref<!tpu.dma_semaphore, #tpu.memory_space<semaphore_mem>>) src(%dma_wait3A_230 : memref<64x128xf32, #tpu.memory_space<hbm>>) dst(%arg6 : memref<64x128xf32, #tpu.memory_space<vmem>>)
      %add3A_231 = arith.constant 0 : i32
      %add3A_232 = arith.addi %mul3A_224, %add3A_231 : i32
      %add3A_233 = arith.addi %mul3A_2, %add3A_232 : i32
      %mul3A_234 = arith.constant 64 : i32
      %mul3A_235 = arith.muli %add3A_233, %mul3A_234 : i32
      %dma_start3A_236 = arith.constant 0 : i32
      %dma_start3A_237 = tpu.memref_slice %arg4[%mul3A_235, %dma_start3A_236] : memref<819200x128xf32, #tpu.memory_space<hbm>> -> memref<64x128xf32, #tpu.memory_space<hbm>>
      %dma_start3A_238 = arith.constant 0 : i32
      %dma_start3A_239 = tpu.memref_slice %arg4[%mul3A_235, %dma_start3A_238] : memref<819200x128xf32, #tpu.memory_space<hbm>> -> memref<64x128xf32, #tpu.memory_space<hbm>>
      tpu.enqueue_dma source(%arg6 : memref<64x128xf32, #tpu.memory_space<vmem>>) target(%dma_start3A_239 : memref<64x128xf32, #tpu.memory_space<hbm>>) target_semaphore(%arg22 : memref<!tpu.dma_semaphore, #tpu.memory_space<semaphore_mem>>)
      %dma_wait3A_240 = arith.constant 0 : i32
      %dma_wait3A_241 = arith.constant 0 : i32
      %dma_wait3A_242 = tpu.memref_slice %arg3[%dma_wait3A_240, %dma_wait3A_241] : memref<100000x128xf32, #tpu.memory_space<hbm>> -> memref<64x128xf32, #tpu.memory_space<hbm>>
      %dma_wait3A_243 = arith.constant 0 : i32
      %dma_wait3A_244 = arith.constant 0 : i32
      %dma_wait3A_245 = tpu.memref_slice %arg3[%dma_wait3A_243, %dma_wait3A_244] : memref<100000x128xf32, #tpu.memory_space<hbm>> -> memref<64x128xf32, #tpu.memory_space<hbm>>
      tpu.wait_dma2 semaphore(%arg15 : memref<!tpu.dma_semaphore, #tpu.memory_space<semaphore_mem>>) src(%dma_wait3A_245 : memref<64x128xf32, #tpu.memory_space<hbm>>) dst(%arg7 : memref<64x128xf32, #tpu.memory_space<vmem>>)
      %add3A_246 = arith.constant 1 : i32
      %add3A_247 = arith.addi %mul3A_224, %add3A_246 : i32
      %add3A_248 = arith.addi %mul3A_2, %add3A_247 : i32
      %mul3A_249 = arith.constant 64 : i32
      %mul3A_250 = arith.muli %add3A_248, %mul3A_249 : i32
      %dma_start3A_251 = arith.constant 0 : i32
      %dma_start3A_252 = tpu.memref_slice %arg4[%mul3A_250, %dma_start3A_251] : memref<819200x128xf32, #tpu.memory_space<hbm>> -> memref<64x128xf32, #tpu.memory_space<hbm>>
      %dma_start3A_253 = arith.constant 0 : i32
      %dma_start3A_254 = tpu.memref_slice %arg4[%mul3A_250, %dma_start3A_253] : memref<819200x128xf32, #tpu.memory_space<hbm>> -> memref<64x128xf32, #tpu.memory_space<hbm>>
      tpu.enqueue_dma source(%arg7 : memref<64x128xf32, #tpu.memory_space<vmem>>) target(%dma_start3A_254 : memref<64x128xf32, #tpu.memory_space<hbm>>) target_semaphore(%arg23 : memref<!tpu.dma_semaphore, #tpu.memory_space<semaphore_mem>>)
      %dma_wait3A_255 = arith.constant 0 : i32
      %dma_wait3A_256 = arith.constant 0 : i32
      %dma_wait3A_257 = tpu.memref_slice %arg3[%dma_wait3A_255, %dma_wait3A_256] : memref<100000x128xf32, #tpu.memory_space<hbm>> -> memref<64x128xf32, #tpu.memory_space<hbm>>
      %dma_wait3A_258 = arith.constant 0 : i32
      %dma_wait3A_259 = arith.constant 0 : i32
      %dma_wait3A_260 = tpu.memref_slice %arg3[%dma_wait3A_258, %dma_wait3A_259] : memref<100000x128xf32, #tpu.memory_space<hbm>> -> memref<64x128xf32, #tpu.memory_space<hbm>>
      tpu.wait_dma2 semaphore(%arg16 : memref<!tpu.dma_semaphore, #tpu.memory_space<semaphore_mem>>) src(%dma_wait3A_260 : memref<64x128xf32, #tpu.memory_space<hbm>>) dst(%arg8 : memref<64x128xf32, #tpu.memory_space<vmem>>)
      %add3A_261 = arith.constant 2 : i32
      %add3A_262 = arith.addi %mul3A_224, %add3A_261 : i32
      %add3A_263 = arith.addi %mul3A_2, %add3A_262 : i32
      %mul3A_264 = arith.constant 64 : i32
      %mul3A_265 = arith.muli %add3A_263, %mul3A_264 : i32
      %dma_start3A_266 = arith.constant 0 : i32
      %dma_start3A_267 = tpu.memref_slice %arg4[%mul3A_265, %dma_start3A_266] : memref<819200x128xf32, #tpu.memory_space<hbm>> -> memref<64x128xf32, #tpu.memory_space<hbm>>
      %dma_start3A_268 = arith.constant 0 : i32
      %dma_start3A_269 = tpu.memref_slice %arg4[%mul3A_265, %dma_start3A_268] : memref<819200x128xf32, #tpu.memory_space<hbm>> -> memref<64x128xf32, #tpu.memory_space<hbm>>
      tpu.enqueue_dma source(%arg8 : memref<64x128xf32, #tpu.memory_space<vmem>>) target(%dma_start3A_269 : memref<64x128xf32, #tpu.memory_space<hbm>>) target_semaphore(%arg24 : memref<!tpu.dma_semaphore, #tpu.memory_space<semaphore_mem>>)
      %dma_wait3A_270 = arith.constant 0 : i32
      %dma_wait3A_271 = arith.constant 0 : i32
      %dma_wait3A_272 = tpu.memref_slice %arg3[%dma_wait3A_270, %dma_wait3A_271] : memref<100000x128xf32, #tpu.memory_space<hbm>> -> memref<64x128xf32, #tpu.memory_space<hbm>>
      %dma_wait3A_273 = arith.constant 0 : i32
      %dma_wait3A_274 = arith.constant 0 : i32
      %dma_wait3A_275 = tpu.memref_slice %arg3[%dma_wait3A_273, %dma_wait3A_274] : memref<100000x128xf32, #tpu.memory_space<hbm>> -> memref<64x128xf32, #tpu.memory_space<hbm>>
      tpu.wait_dma2 semaphore(%arg17 : memref<!tpu.dma_semaphore, #tpu.memory_space<semaphore_mem>>) src(%dma_wait3A_275 : memref<64x128xf32, #tpu.memory_space<hbm>>) dst(%arg9 : memref<64x128xf32, #tpu.memory_space<vmem>>)
      %add3A_276 = arith.constant 3 : i32
      %add3A_277 = arith.addi %mul3A_224, %add3A_276 : i32
      %add3A_278 = arith.addi %mul3A_2, %add3A_277 : i32
      %mul3A_279 = arith.constant 64 : i32
      %mul3A_280 = arith.muli %add3A_278, %mul3A_279 : i32
      %dma_start3A_281 = arith.constant 0 : i32
      %dma_start3A_282 = tpu.memref_slice %arg4[%mul3A_280, %dma_start3A_281] : memref<819200x128xf32, #tpu.memory_space<hbm>> -> memref<64x128xf32, #tpu.memory_space<hbm>>
      %dma_start3A_283 = arith.constant 0 : i32
      %dma_start3A_284 = tpu.memref_slice %arg4[%mul3A_280, %dma_start3A_283] : memref<819200x128xf32, #tpu.memory_space<hbm>> -> memref<64x128xf32, #tpu.memory_space<hbm>>
      tpu.enqueue_dma source(%arg9 : memref<64x128xf32, #tpu.memory_space<vmem>>) target(%dma_start3A_284 : memref<64x128xf32, #tpu.memory_space<hbm>>) target_semaphore(%arg25 : memref<!tpu.dma_semaphore, #tpu.memory_space<semaphore_mem>>)
      %dma_wait3A_285 = arith.constant 0 : i32
      %dma_wait3A_286 = arith.constant 0 : i32
      %dma_wait3A_287 = tpu.memref_slice %arg3[%dma_wait3A_285, %dma_wait3A_286] : memref<100000x128xf32, #tpu.memory_space<hbm>> -> memref<64x128xf32, #tpu.memory_space<hbm>>
      %dma_wait3A_288 = arith.constant 0 : i32
      %dma_wait3A_289 = arith.constant 0 : i32
      %dma_wait3A_290 = tpu.memref_slice %arg3[%dma_wait3A_288, %dma_wait3A_289] : memref<100000x128xf32, #tpu.memory_space<hbm>> -> memref<64x128xf32, #tpu.memory_space<hbm>>
      tpu.wait_dma2 semaphore(%arg18 : memref<!tpu.dma_semaphore, #tpu.memory_space<semaphore_mem>>) src(%dma_wait3A_290 : memref<64x128xf32, #tpu.memory_space<hbm>>) dst(%arg10 : memref<64x128xf32, #tpu.memory_space<vmem>>)
      %add3A_291 = arith.constant 4 : i32
      %add3A_292 = arith.addi %mul3A_224, %add3A_291 : i32
      %add3A_293 = arith.addi %mul3A_2, %add3A_292 : i32
      %mul3A_294 = arith.constant 64 : i32
      %mul3A_295 = arith.muli %add3A_293, %mul3A_294 : i32
      %dma_start3A_296 = arith.constant 0 : i32
      %dma_start3A_297 = tpu.memref_slice %arg4[%mul3A_295, %dma_start3A_296] : memref<819200x128xf32, #tpu.memory_space<hbm>> -> memref<64x128xf32, #tpu.memory_space<hbm>>
      %dma_start3A_298 = arith.constant 0 : i32
      %dma_start3A_299 = tpu.memref_slice %arg4[%mul3A_295, %dma_start3A_298] : memref<819200x128xf32, #tpu.memory_space<hbm>> -> memref<64x128xf32, #tpu.memory_space<hbm>>
      tpu.enqueue_dma source(%arg10 : memref<64x128xf32, #tpu.memory_space<vmem>>) target(%dma_start3A_299 : memref<64x128xf32, #tpu.memory_space<hbm>>) target_semaphore(%arg26 : memref<!tpu.dma_semaphore, #tpu.memory_space<semaphore_mem>>)
      %dma_wait3A_300 = arith.constant 0 : i32
      %dma_wait3A_301 = arith.constant 0 : i32
      %dma_wait3A_302 = tpu.memref_slice %arg3[%dma_wait3A_300, %dma_wait3A_301] : memref<100000x128xf32, #tpu.memory_space<hbm>> -> memref<64x128xf32, #tpu.memory_space<hbm>>
      %dma_wait3A_303 = arith.constant 0 : i32
      %dma_wait3A_304 = arith.constant 0 : i32
      %dma_wait3A_305 = tpu.memref_slice %arg3[%dma_wait3A_303, %dma_wait3A_304] : memref<100000x128xf32, #tpu.memory_space<hbm>> -> memref<64x128xf32, #tpu.memory_space<hbm>>
      tpu.wait_dma2 semaphore(%arg19 : memref<!tpu.dma_semaphore, #tpu.memory_space<semaphore_mem>>) src(%dma_wait3A_305 : memref<64x128xf32, #tpu.memory_space<hbm>>) dst(%arg11 : memref<64x128xf32, #tpu.memory_space<vmem>>)
      %add3A_306 = arith.constant 5 : i32
      %add3A_307 = arith.addi %mul3A_224, %add3A_306 : i32
      %add3A_308 = arith.addi %mul3A_2, %add3A_307 : i32
      %mul3A_309 = arith.constant 64 : i32
      %mul3A_310 = arith.muli %add3A_308, %mul3A_309 : i32
      %dma_start3A_311 = arith.constant 0 : i32
      %dma_start3A_312 = tpu.memref_slice %arg4[%mul3A_310, %dma_start3A_311] : memref<819200x128xf32, #tpu.memory_space<hbm>> -> memref<64x128xf32, #tpu.memory_space<hbm>>
      %dma_start3A_313 = arith.constant 0 : i32
      %dma_start3A_314 = tpu.memref_slice %arg4[%mul3A_310, %dma_start3A_313] : memref<819200x128xf32, #tpu.memory_space<hbm>> -> memref<64x128xf32, #tpu.memory_space<hbm>>
      tpu.enqueue_dma source(%arg11 : memref<64x128xf32, #tpu.memory_space<vmem>>) target(%dma_start3A_314 : memref<64x128xf32, #tpu.memory_space<hbm>>) target_semaphore(%arg27 : memref<!tpu.dma_semaphore, #tpu.memory_space<semaphore_mem>>)
      %dma_wait3A_315 = arith.constant 0 : i32
      %dma_wait3A_316 = arith.constant 0 : i32
      %dma_wait3A_317 = tpu.memref_slice %arg3[%dma_wait3A_315, %dma_wait3A_316] : memref<100000x128xf32, #tpu.memory_space<hbm>> -> memref<64x128xf32, #tpu.memory_space<hbm>>
      %dma_wait3A_318 = arith.constant 0 : i32
      %dma_wait3A_319 = arith.constant 0 : i32
      %dma_wait3A_320 = tpu.memref_slice %arg3[%dma_wait3A_318, %dma_wait3A_319] : memref<100000x128xf32, #tpu.memory_space<hbm>> -> memref<64x128xf32, #tpu.memory_space<hbm>>
      tpu.wait_dma2 semaphore(%arg20 : memref<!tpu.dma_semaphore, #tpu.memory_space<semaphore_mem>>) src(%dma_wait3A_320 : memref<64x128xf32, #tpu.memory_space<hbm>>) dst(%arg12 : memref<64x128xf32, #tpu.memory_space<vmem>>)
      %add3A_321 = arith.constant 6 : i32
      %add3A_322 = arith.addi %mul3A_224, %add3A_321 : i32
      %add3A_323 = arith.addi %mul3A_2, %add3A_322 : i32
      %mul3A_324 = arith.constant 64 : i32
      %mul3A_325 = arith.muli %add3A_323, %mul3A_324 : i32
      %dma_start3A_326 = arith.constant 0 : i32
      %dma_start3A_327 = tpu.memref_slice %arg4[%mul3A_325, %dma_start3A_326] : memref<819200x128xf32, #tpu.memory_space<hbm>> -> memref<64x128xf32, #tpu.memory_space<hbm>>
      %dma_start3A_328 = arith.constant 0 : i32
      %dma_start3A_329 = tpu.memref_slice %arg4[%mul3A_325, %dma_start3A_328] : memref<819200x128xf32, #tpu.memory_space<hbm>> -> memref<64x128xf32, #tpu.memory_space<hbm>>
      tpu.enqueue_dma source(%arg12 : memref<64x128xf32, #tpu.memory_space<vmem>>) target(%dma_start3A_329 : memref<64x128xf32, #tpu.memory_space<hbm>>) target_semaphore(%arg28 : memref<!tpu.dma_semaphore, #tpu.memory_space<semaphore_mem>>)
      %dma_wait3A_330 = arith.constant 0 : i32
      %dma_wait3A_331 = arith.constant 0 : i32
      %dma_wait3A_332 = tpu.memref_slice %arg3[%dma_wait3A_330, %dma_wait3A_331] : memref<100000x128xf32, #tpu.memory_space<hbm>> -> memref<64x128xf32, #tpu.memory_space<hbm>>
      %dma_wait3A_333 = arith.constant 0 : i32
      %dma_wait3A_334 = arith.constant 0 : i32
      %dma_wait3A_335 = tpu.memref_slice %arg3[%dma_wait3A_333, %dma_wait3A_334] : memref<100000x128xf32, #tpu.memory_space<hbm>> -> memref<64x128xf32, #tpu.memory_space<hbm>>
      tpu.wait_dma2 semaphore(%arg21 : memref<!tpu.dma_semaphore, #tpu.memory_space<semaphore_mem>>) src(%dma_wait3A_335 : memref<64x128xf32, #tpu.memory_space<hbm>>) dst(%arg13 : memref<64x128xf32, #tpu.memory_space<vmem>>)
      %add3A_336 = arith.constant 7 : i32
      %add3A_337 = arith.addi %mul3A_224, %add3A_336 : i32
      %add3A_338 = arith.addi %mul3A_2, %add3A_337 : i32
      %mul3A_339 = arith.constant 64 : i32
      %mul3A_340 = arith.muli %add3A_338, %mul3A_339 : i32
      %dma_start3A_341 = arith.constant 0 : i32
      %dma_start3A_342 = tpu.memref_slice %arg4[%mul3A_340, %dma_start3A_341] : memref<819200x128xf32, #tpu.memory_space<hbm>> -> memref<64x128xf32, #tpu.memory_space<hbm>>
      %dma_start3A_343 = arith.constant 0 : i32
      %dma_start3A_344 = tpu.memref_slice %arg4[%mul3A_340, %dma_start3A_343] : memref<819200x128xf32, #tpu.memory_space<hbm>> -> memref<64x128xf32, #tpu.memory_space<hbm>>
      tpu.enqueue_dma source(%arg13 : memref<64x128xf32, #tpu.memory_space<vmem>>) target(%dma_start3A_344 : memref<64x128xf32, #tpu.memory_space<hbm>>) target_semaphore(%arg29 : memref<!tpu.dma_semaphore, #tpu.memory_space<semaphore_mem>>)
      %mul3A_345 = arith.constant 64 : i32
      %mul3A_346 = arith.muli %mul3A_2, %mul3A_345 : i32
      %dma_wait3A_347 = arith.constant 0 : i32
      %dma_wait3A_348 = tpu.memref_slice %arg4[%mul3A_346, %dma_wait3A_347] : memref<819200x128xf32, #tpu.memory_space<hbm>> -> memref<64x128xf32, #tpu.memory_space<hbm>>
      %dma_wait3A_349 = arith.constant 0 : i32
      %dma_wait3A_350 = tpu.memref_slice %arg4[%mul3A_346, %dma_wait3A_349] : memref<819200x128xf32, #tpu.memory_space<hbm>> -> memref<64x128xf32, #tpu.memory_space<hbm>>
      tpu.wait_dma2 semaphore(%arg22 : memref<!tpu.dma_semaphore, #tpu.memory_space<semaphore_mem>>) src(%arg6 : memref<64x128xf32, #tpu.memory_space<vmem>>) dst(%dma_wait3A_350 : memref<64x128xf32, #tpu.memory_space<hbm>>)
      %add3A_351 = arith.constant 8 : i32
      %add3A_352 = arith.addi %mul3A_224, %add3A_351 : i32
      %add3A_353 = arith.constant 0 : i32
      %add3A_354 = arith.addi %add3A_352, %add3A_353 : i32
      %dma_start3A_355 = arith.constant 0 : i32
      %dma_start3A_356 = tpu.memref_slice %arg5[%add3A_354, %dma_start3A_355] : memref<400x64xi32, #tpu.memory_space<vmem>> -> memref<1x64xi32, #tpu.memory_space<vmem>>
      %dma_start3A_357 = tpu.memref_squeeze %dma_start3A_356 : memref<1x64xi32, #tpu.memory_space<vmem>> -> memref<64xi32, #tpu.memory_space<vmem>>
      %dma_start3A_358 = arith.constant 0 : i32
      %dma_start3A_359 = arith.constant 0 : i32
      %dma_start3A_360 = tpu.memref_slice %arg3[%dma_start3A_358, %dma_start3A_359] : memref<100000x128xf32, #tpu.memory_space<hbm>> -> memref<100000x128xf32, #tpu.memory_space<hbm>>
      tpu.enqueue_indirect_dma source(%dma_start3A_360 : memref<100000x128xf32, #tpu.memory_space<hbm>>) target(%arg6 : memref<64x128xf32, #tpu.memory_space<vmem>>) offsets(%dma_start3A_357 : memref<64xi32, #tpu.memory_space<vmem>>) semaphore(%arg14 : memref<!tpu.dma_semaphore, #tpu.memory_space<semaphore_mem>>)
      %mul3A_361 = arith.constant 64 : i32
      %mul3A_362 = arith.muli %mul3A_2, %mul3A_361 : i32
      %dma_wait3A_363 = arith.constant 0 : i32
      %dma_wait3A_364 = tpu.memref_slice %arg4[%mul3A_362, %dma_wait3A_363] : memref<819200x128xf32, #tpu.memory_space<hbm>> -> memref<64x128xf32, #tpu.memory_space<hbm>>
      %dma_wait3A_365 = arith.constant 0 : i32
      %dma_wait3A_366 = tpu.memref_slice %arg4[%mul3A_362, %dma_wait3A_365] : memref<819200x128xf32, #tpu.memory_space<hbm>> -> memref<64x128xf32, #tpu.memory_space<hbm>>
      tpu.wait_dma2 semaphore(%arg23 : memref<!tpu.dma_semaphore, #tpu.memory_space<semaphore_mem>>) src(%arg7 : memref<64x128xf32, #tpu.memory_space<vmem>>) dst(%dma_wait3A_366 : memref<64x128xf32, #tpu.memory_space<hbm>>)
      %add3A_367 = arith.constant 8 : i32
      %add3A_368 = arith.addi %mul3A_224, %add3A_367 : i32
      %add3A_369 = arith.constant 1 : i32
      %add3A_370 = arith.addi %add3A_368, %add3A_369 : i32
      %dma_start3A_371 = arith.constant 0 : i32
      %dma_start3A_372 = tpu.memref_slice %arg5[%add3A_370, %dma_start3A_371] : memref<400x64xi32, #tpu.memory_space<vmem>> -> memref<1x64xi32, #tpu.memory_space<vmem>>
      %dma_start3A_373 = tpu.memref_squeeze %dma_start3A_372 : memref<1x64xi32, #tpu.memory_space<vmem>> -> memref<64xi32, #tpu.memory_space<vmem>>
      %dma_start3A_374 = arith.constant 0 : i32
      %dma_start3A_375 = arith.constant 0 : i32
      %dma_start3A_376 = tpu.memref_slice %arg3[%dma_start3A_374, %dma_start3A_375] : memref<100000x128xf32, #tpu.memory_space<hbm>> -> memref<100000x128xf32, #tpu.memory_space<hbm>>
      tpu.enqueue_indirect_dma source(%dma_start3A_376 : memref<100000x128xf32, #tpu.memory_space<hbm>>) target(%arg7 : memref<64x128xf32, #tpu.memory_space<vmem>>) offsets(%dma_start3A_373 : memref<64xi32, #tpu.memory_space<vmem>>) semaphore(%arg15 : memref<!tpu.dma_semaphore, #tpu.memory_space<semaphore_mem>>)
      %mul3A_377 = arith.constant 64 : i32
      %mul3A_378 = arith.muli %mul3A_2, %mul3A_377 : i32
      %dma_wait3A_379 = arith.constant 0 : i32
      %dma_wait3A_380 = tpu.memref_slice %arg4[%mul3A_378, %dma_wait3A_379] : memref<819200x128xf32, #tpu.memory_space<hbm>> -> memref<64x128xf32, #tpu.memory_space<hbm>>
      %dma_wait3A_381 = arith.constant 0 : i32
      %dma_wait3A_382 = tpu.memref_slice %arg4[%mul3A_378, %dma_wait3A_381] : memref<819200x128xf32, #tpu.memory_space<hbm>> -> memref<64x128xf32, #tpu.memory_space<hbm>>
      tpu.wait_dma2 semaphore(%arg24 : memref<!tpu.dma_semaphore, #tpu.memory_space<semaphore_mem>>) src(%arg8 : memref<64x128xf32, #tpu.memory_space<vmem>>) dst(%dma_wait3A_382 : memref<64x128xf32, #tpu.memory_space<hbm>>)
      %add3A_383 = arith.constant 8 : i32
      %add3A_384 = arith.addi %mul3A_224, %add3A_383 : i32
      %add3A_385 = arith.constant 2 : i32
      %add3A_386 = arith.addi %add3A_384, %add3A_385 : i32
      %dma_start3A_387 = arith.constant 0 : i32
      %dma_start3A_388 = tpu.memref_slice %arg5[%add3A_386, %dma_start3A_387] : memref<400x64xi32, #tpu.memory_space<vmem>> -> memref<1x64xi32, #tpu.memory_space<vmem>>
      %dma_start3A_389 = tpu.memref_squeeze %dma_start3A_388 : memref<1x64xi32, #tpu.memory_space<vmem>> -> memref<64xi32, #tpu.memory_space<vmem>>
      %dma_start3A_390 = arith.constant 0 : i32
      %dma_start3A_391 = arith.constant 0 : i32
      %dma_start3A_392 = tpu.memref_slice %arg3[%dma_start3A_390, %dma_start3A_391] : memref<100000x128xf32, #tpu.memory_space<hbm>> -> memref<100000x128xf32, #tpu.memory_space<hbm>>
      tpu.enqueue_indirect_dma source(%dma_start3A_392 : memref<100000x128xf32, #tpu.memory_space<hbm>>) target(%arg8 : memref<64x128xf32, #tpu.memory_space<vmem>>) offsets(%dma_start3A_389 : memref<64xi32, #tpu.memory_space<vmem>>) semaphore(%arg16 : memref<!tpu.dma_semaphore, #tpu.memory_space<semaphore_mem>>)
      %mul3A_393 = arith.constant 64 : i32
      %mul3A_394 = arith.muli %mul3A_2, %mul3A_393 : i32
      %dma_wait3A_395 = arith.constant 0 : i32
      %dma_wait3A_396 = tpu.memref_slice %arg4[%mul3A_394, %dma_wait3A_395] : memref<819200x128xf32, #tpu.memory_space<hbm>> -> memref<64x128xf32, #tpu.memory_space<hbm>>
      %dma_wait3A_397 = arith.constant 0 : i32
      %dma_wait3A_398 = tpu.memref_slice %arg4[%mul3A_394, %dma_wait3A_397] : memref<819200x128xf32, #tpu.memory_space<hbm>> -> memref<64x128xf32, #tpu.memory_space<hbm>>
      tpu.wait_dma2 semaphore(%arg25 : memref<!tpu.dma_semaphore, #tpu.memory_space<semaphore_mem>>) src(%arg9 : memref<64x128xf32, #tpu.memory_space<vmem>>) dst(%dma_wait3A_398 : memref<64x128xf32, #tpu.memory_space<hbm>>)
      %add3A_399 = arith.constant 8 : i32
      %add3A_400 = arith.addi %mul3A_224, %add3A_399 : i32
      %add3A_401 = arith.constant 3 : i32
      %add3A_402 = arith.addi %add3A_400, %add3A_401 : i32
      %dma_start3A_403 = arith.constant 0 : i32
      %dma_start3A_404 = tpu.memref_slice %arg5[%add3A_402, %dma_start3A_403] : memref<400x64xi32, #tpu.memory_space<vmem>> -> memref<1x64xi32, #tpu.memory_space<vmem>>
      %dma_start3A_405 = tpu.memref_squeeze %dma_start3A_404 : memref<1x64xi32, #tpu.memory_space<vmem>> -> memref<64xi32, #tpu.memory_space<vmem>>
      %dma_start3A_406 = arith.constant 0 : i32
      %dma_start3A_407 = arith.constant 0 : i32
      %dma_start3A_408 = tpu.memref_slice %arg3[%dma_start3A_406, %dma_start3A_407] : memref<100000x128xf32, #tpu.memory_space<hbm>> -> memref<100000x128xf32, #tpu.memory_space<hbm>>
      tpu.enqueue_indirect_dma source(%dma_start3A_408 : memref<100000x128xf32, #tpu.memory_space<hbm>>) target(%arg9 : memref<64x128xf32, #tpu.memory_space<vmem>>) offsets(%dma_start3A_405 : memref<64xi32, #tpu.memory_space<vmem>>) semaphore(%arg17 : memref<!tpu.dma_semaphore, #tpu.memory_space<semaphore_mem>>)
      %mul3A_409 = arith.constant 64 : i32
      %mul3A_410 = arith.muli %mul3A_2, %mul3A_409 : i32
      %dma_wait3A_411 = arith.constant 0 : i32
      %dma_wait3A_412 = tpu.memref_slice %arg4[%mul3A_410, %dma_wait3A_411] : memref<819200x128xf32, #tpu.memory_space<hbm>> -> memref<64x128xf32, #tpu.memory_space<hbm>>
      %dma_wait3A_413 = arith.constant 0 : i32
      %dma_wait3A_414 = tpu.memref_slice %arg4[%mul3A_410, %dma_wait3A_413] : memref<819200x128xf32, #tpu.memory_space<hbm>> -> memref<64x128xf32, #tpu.memory_space<hbm>>
      tpu.wait_dma2 semaphore(%arg26 : memref<!tpu.dma_semaphore, #tpu.memory_space<semaphore_mem>>) src(%arg10 : memref<64x128xf32, #tpu.memory_space<vmem>>) dst(%dma_wait3A_414 : memref<64x128xf32, #tpu.memory_space<hbm>>)
      %add3A_415 = arith.constant 8 : i32
      %add3A_416 = arith.addi %mul3A_224, %add3A_415 : i32
      %add3A_417 = arith.constant 4 : i32
      %add3A_418 = arith.addi %add3A_416, %add3A_417 : i32
      %dma_start3A_419 = arith.constant 0 : i32
      %dma_start3A_420 = tpu.memref_slice %arg5[%add3A_418, %dma_start3A_419] : memref<400x64xi32, #tpu.memory_space<vmem>> -> memref<1x64xi32, #tpu.memory_space<vmem>>
      %dma_start3A_421 = tpu.memref_squeeze %dma_start3A_420 : memref<1x64xi32, #tpu.memory_space<vmem>> -> memref<64xi32, #tpu.memory_space<vmem>>
      %dma_start3A_422 = arith.constant 0 : i32
      %dma_start3A_423 = arith.constant 0 : i32
      %dma_start3A_424 = tpu.memref_slice %arg3[%dma_start3A_422, %dma_start3A_423] : memref<100000x128xf32, #tpu.memory_space<hbm>> -> memref<100000x128xf32, #tpu.memory_space<hbm>>
      tpu.enqueue_indirect_dma source(%dma_start3A_424 : memref<100000x128xf32, #tpu.memory_space<hbm>>) target(%arg10 : memref<64x128xf32, #tpu.memory_space<vmem>>) offsets(%dma_start3A_421 : memref<64xi32, #tpu.memory_space<vmem>>) semaphore(%arg18 : memref<!tpu.dma_semaphore, #tpu.memory_space<semaphore_mem>>)
      %mul3A_425 = arith.constant 64 : i32
      %mul3A_426 = arith.muli %mul3A_2, %mul3A_425 : i32
      %dma_wait3A_427 = arith.constant 0 : i32
      %dma_wait3A_428 = tpu.memref_slice %arg4[%mul3A_426, %dma_wait3A_427] : memref<819200x128xf32, #tpu.memory_space<hbm>> -> memref<64x128xf32, #tpu.memory_space<hbm>>
      %dma_wait3A_429 = arith.constant 0 : i32
      %dma_wait3A_430 = tpu.memref_slice %arg4[%mul3A_426, %dma_wait3A_429] : memref<819200x128xf32, #tpu.memory_space<hbm>> -> memref<64x128xf32, #tpu.memory_space<hbm>>
      tpu.wait_dma2 semaphore(%arg27 : memref<!tpu.dma_semaphore, #tpu.memory_space<semaphore_mem>>) src(%arg11 : memref<64x128xf32, #tpu.memory_space<vmem>>) dst(%dma_wait3A_430 : memref<64x128xf32, #tpu.memory_space<hbm>>)
      %add3A_431 = arith.constant 8 : i32
      %add3A_432 = arith.addi %mul3A_224, %add3A_431 : i32
      %add3A_433 = arith.constant 5 : i32
      %add3A_434 = arith.addi %add3A_432, %add3A_433 : i32
      %dma_start3A_435 = arith.constant 0 : i32
      %dma_start3A_436 = tpu.memref_slice %arg5[%add3A_434, %dma_start3A_435] : memref<400x64xi32, #tpu.memory_space<vmem>> -> memref<1x64xi32, #tpu.memory_space<vmem>>
      %dma_start3A_437 = tpu.memref_squeeze %dma_start3A_436 : memref<1x64xi32, #tpu.memory_space<vmem>> -> memref<64xi32, #tpu.memory_space<vmem>>
      %dma_start3A_438 = arith.constant 0 : i32
      %dma_start3A_439 = arith.constant 0 : i32
      %dma_start3A_440 = tpu.memref_slice %arg3[%dma_start3A_438, %dma_start3A_439] : memref<100000x128xf32, #tpu.memory_space<hbm>> -> memref<100000x128xf32, #tpu.memory_space<hbm>>
      tpu.enqueue_indirect_dma source(%dma_start3A_440 : memref<100000x128xf32, #tpu.memory_space<hbm>>) target(%arg11 : memref<64x128xf32, #tpu.memory_space<vmem>>) offsets(%dma_start3A_437 : memref<64xi32, #tpu.memory_space<vmem>>) semaphore(%arg19 : memref<!tpu.dma_semaphore, #tpu.memory_space<semaphore_mem>>)
      %mul3A_441 = arith.constant 64 : i32
      %mul3A_442 = arith.muli %mul3A_2, %mul3A_441 : i32
      %dma_wait3A_443 = arith.constant 0 : i32
      %dma_wait3A_444 = tpu.memref_slice %arg4[%mul3A_442, %dma_wait3A_443] : memref<819200x128xf32, #tpu.memory_space<hbm>> -> memref<64x128xf32, #tpu.memory_space<hbm>>
      %dma_wait3A_445 = arith.constant 0 : i32
      %dma_wait3A_446 = tpu.memref_slice %arg4[%mul3A_442, %dma_wait3A_445] : memref<819200x128xf32, #tpu.memory_space<hbm>> -> memref<64x128xf32, #tpu.memory_space<hbm>>
      tpu.wait_dma2 semaphore(%arg28 : memref<!tpu.dma_semaphore, #tpu.memory_space<semaphore_mem>>) src(%arg12 : memref<64x128xf32, #tpu.memory_space<vmem>>) dst(%dma_wait3A_446 : memref<64x128xf32, #tpu.memory_space<hbm>>)
      %add3A_447 = arith.constant 8 : i32
      %add3A_448 = arith.addi %mul3A_224, %add3A_447 : i32
      %add3A_449 = arith.constant 6 : i32
      %add3A_450 = arith.addi %add3A_448, %add3A_449 : i32
      %dma_start3A_451 = arith.constant 0 : i32
      %dma_start3A_452 = tpu.memref_slice %arg5[%add3A_450, %dma_start3A_451] : memref<400x64xi32, #tpu.memory_space<vmem>> -> memref<1x64xi32, #tpu.memory_space<vmem>>
      %dma_start3A_453 = tpu.memref_squeeze %dma_start3A_452 : memref<1x64xi32, #tpu.memory_space<vmem>> -> memref<64xi32, #tpu.memory_space<vmem>>
      %dma_start3A_454 = arith.constant 0 : i32
      %dma_start3A_455 = arith.constant 0 : i32
      %dma_start3A_456 = tpu.memref_slice %arg3[%dma_start3A_454, %dma_start3A_455] : memref<100000x128xf32, #tpu.memory_space<hbm>> -> memref<100000x128xf32, #tpu.memory_space<hbm>>
      tpu.enqueue_indirect_dma source(%dma_start3A_456 : memref<100000x128xf32, #tpu.memory_space<hbm>>) target(%arg12 : memref<64x128xf32, #tpu.memory_space<vmem>>) offsets(%dma_start3A_453 : memref<64xi32, #tpu.memory_space<vmem>>) semaphore(%arg20 : memref<!tpu.dma_semaphore, #tpu.memory_space<semaphore_mem>>)
      %mul3A_457 = arith.constant 64 : i32
      %mul3A_458 = arith.muli %mul3A_2, %mul3A_457 : i32
      %dma_wait3A_459 = arith.constant 0 : i32
      %dma_wait3A_460 = tpu.memref_slice %arg4[%mul3A_458, %dma_wait3A_459] : memref<819200x128xf32, #tpu.memory_space<hbm>> -> memref<64x128xf32, #tpu.memory_space<hbm>>
      %dma_wait3A_461 = arith.constant 0 : i32
      %dma_wait3A_462 = tpu.memref_slice %arg4[%mul3A_458, %dma_wait3A_461] : memref<819200x128xf32, #tpu.memory_space<hbm>> -> memref<64x128xf32, #tpu.memory_space<hbm>>
      tpu.wait_dma2 semaphore(%arg29 : memref<!tpu.dma_semaphore, #tpu.memory_space<semaphore_mem>>) src(%arg13 : memref<64x128xf32, #tpu.memory_space<vmem>>) dst(%dma_wait3A_462 : memref<64x128xf32, #tpu.memory_space<hbm>>)
      %add3A_463 = arith.constant 8 : i32
      %add3A_464 = arith.addi %mul3A_224, %add3A_463 : i32
      %add3A_465 = arith.constant 7 : i32
      %add3A_466 = arith.addi %add3A_464, %add3A_465 : i32
      %dma_start3A_467 = arith.constant 0 : i32
      %dma_start3A_468 = tpu.memref_slice %arg5[%add3A_466, %dma_start3A_467] : memref<400x64xi32, #tpu.memory_space<vmem>> -> memref<1x64xi32, #tpu.memory_space<vmem>>
      %dma_start3A_469 = tpu.memref_squeeze %dma_start3A_468 : memref<1x64xi32, #tpu.memory_space<vmem>> -> memref<64xi32, #tpu.memory_space<vmem>>
      %dma_start3A_470 = arith.constant 0 : i32
      %dma_start3A_471 = arith.constant 0 : i32
      %dma_start3A_472 = tpu.memref_slice %arg3[%dma_start3A_470, %dma_start3A_471] : memref<100000x128xf32, #tpu.memory_space<hbm>> -> memref<100000x128xf32, #tpu.memory_space<hbm>>
      tpu.enqueue_indirect_dma source(%dma_start3A_472 : memref<100000x128xf32, #tpu.memory_space<hbm>>) target(%arg13 : memref<64x128xf32, #tpu.memory_space<vmem>>) offsets(%dma_start3A_469 : memref<64xi32, #tpu.memory_space<vmem>>) semaphore(%arg21 : memref<!tpu.dma_semaphore, #tpu.memory_space<semaphore_mem>>)
    }
    %scan3A_62 = arith.constant 49 : i32
    %dma_wait3A = arith.constant 0 : i32
    %dma_wait3A_63 = arith.constant 0 : i32
    %dma_wait3A_64 = tpu.memref_slice %arg3[%dma_wait3A, %dma_wait3A_63] : memref<100000x128xf32, #tpu.memory_space<hbm>> -> memref<64x128xf32, #tpu.memory_space<hbm>>
    %dma_wait3A_65 = arith.constant 0 : i32
    %dma_wait3A_66 = arith.constant 0 : i32
    %dma_wait3A_67 = tpu.memref_slice %arg3[%dma_wait3A_65, %dma_wait3A_66] : memref<100000x128xf32, #tpu.memory_space<hbm>> -> memref<64x128xf32, #tpu.memory_space<hbm>>
    tpu.wait_dma2 semaphore(%arg14 : memref<!tpu.dma_semaphore, #tpu.memory_space<semaphore_mem>>) src(%dma_wait3A_67 : memref<64x128xf32, #tpu.memory_space<hbm>>) dst(%arg6 : memref<64x128xf32, #tpu.memory_space<vmem>>)
    %add3A_68 = arith.constant 392 : i32
    %add3A_69 = arith.addi %mul3A_2, %add3A_68 : i32
    %mul3A_70 = arith.constant 64 : i32
    %mul3A_71 = arith.muli %add3A_69, %mul3A_70 : i32
    %dma_start3A_72 = arith.constant 0 : i32
    %dma_start3A_73 = tpu.memref_slice %arg4[%mul3A_71, %dma_start3A_72] : memref<819200x128xf32, #tpu.memory_space<hbm>> -> memref<64x128xf32, #tpu.memory_space<hbm>>
    %dma_start3A_74 = arith.constant 0 : i32
    %dma_start3A_75 = tpu.memref_slice %arg4[%mul3A_71, %dma_start3A_74] : memref<819200x128xf32, #tpu.memory_space<hbm>> -> memref<64x128xf32, #tpu.memory_space<hbm>>
    tpu.enqueue_dma source(%arg6 : memref<64x128xf32, #tpu.memory_space<vmem>>) target(%dma_start3A_75 : memref<64x128xf32, #tpu.memory_space<hbm>>) target_semaphore(%arg22 : memref<!tpu.dma_semaphore, #tpu.memory_space<semaphore_mem>>)
    %dma_wait3A_76 = arith.constant 0 : i32
    %dma_wait3A_77 = arith.constant 0 : i32
    %dma_wait3A_78 = tpu.memref_slice %arg3[%dma_wait3A_76, %dma_wait3A_77] : memref<100000x128xf32, #tpu.memory_space<hbm>> -> memref<64x128xf32, #tpu.memory_space<hbm>>
    %dma_wait3A_79 = arith.constant 0 : i32
    %dma_wait3A_80 = arith.constant 0 : i32
    %dma_wait3A_81 = tpu.memref_slice %arg3[%dma_wait3A_79, %dma_wait3A_80] : memref<100000x128xf32, #tpu.memory_space<hbm>> -> memref<64x128xf32, #tpu.memory_space<hbm>>
    tpu.wait_dma2 semaphore(%arg15 : memref<!tpu.dma_semaphore, #tpu.memory_space<semaphore_mem>>) src(%dma_wait3A_81 : memref<64x128xf32, #tpu.memory_space<hbm>>) dst(%arg7 : memref<64x128xf32, #tpu.memory_space<vmem>>)
    %add3A_82 = arith.constant 393 : i32
    %add3A_83 = arith.addi %mul3A_2, %add3A_82 : i32
    %mul3A_84 = arith.constant 64 : i32
    %mul3A_85 = arith.muli %add3A_83, %mul3A_84 : i32
    %dma_start3A_86 = arith.constant 0 : i32
    %dma_start3A_87 = tpu.memref_slice %arg4[%mul3A_85, %dma_start3A_86] : memref<819200x128xf32, #tpu.memory_space<hbm>> -> memref<64x128xf32, #tpu.memory_space<hbm>>
    %dma_start3A_88 = arith.constant 0 : i32
    %dma_start3A_89 = tpu.memref_slice %arg4[%mul3A_85, %dma_start3A_88] : memref<819200x128xf32, #tpu.memory_space<hbm>> -> memref<64x128xf32, #tpu.memory_space<hbm>>
    tpu.enqueue_dma source(%arg7 : memref<64x128xf32, #tpu.memory_space<vmem>>) target(%dma_start3A_89 : memref<64x128xf32, #tpu.memory_space<hbm>>) target_semaphore(%arg23 : memref<!tpu.dma_semaphore, #tpu.memory_space<semaphore_mem>>)
    %dma_wait3A_90 = arith.constant 0 : i32
    %dma_wait3A_91 = arith.constant 0 : i32
    %dma_wait3A_92 = tpu.memref_slice %arg3[%dma_wait3A_90, %dma_wait3A_91] : memref<100000x128xf32, #tpu.memory_space<hbm>> -> memref<64x128xf32, #tpu.memory_space<hbm>>
    %dma_wait3A_93 = arith.constant 0 : i32
    %dma_wait3A_94 = arith.constant 0 : i32
    %dma_wait3A_95 = tpu.memref_slice %arg3[%dma_wait3A_93, %dma_wait3A_94] : memref<100000x128xf32, #tpu.memory_space<hbm>> -> memref<64x128xf32, #tpu.memory_space<hbm>>
    tpu.wait_dma2 semaphore(%arg16 : memref<!tpu.dma_semaphore, #tpu.memory_space<semaphore_mem>>) src(%dma_wait3A_95 : memref<64x128xf32, #tpu.memory_space<hbm>>) dst(%arg8 : memref<64x128xf32, #tpu.memory_space<vmem>>)
    %add3A_96 = arith.constant 394 : i32
    %add3A_97 = arith.addi %mul3A_2, %add3A_96 : i32
    %mul3A_98 = arith.constant 64 : i32
    %mul3A_99 = arith.muli %add3A_97, %mul3A_98 : i32
    %dma_start3A_100 = arith.constant 0 : i32
    %dma_start3A_101 = tpu.memref_slice %arg4[%mul3A_99, %dma_start3A_100] : memref<819200x128xf32, #tpu.memory_space<hbm>> -> memref<64x128xf32, #tpu.memory_space<hbm>>
    %dma_start3A_102 = arith.constant 0 : i32
    %dma_start3A_103 = tpu.memref_slice %arg4[%mul3A_99, %dma_start3A_102] : memref<819200x128xf32, #tpu.memory_space<hbm>> -> memref<64x128xf32, #tpu.memory_space<hbm>>
    tpu.enqueue_dma source(%arg8 : memref<64x128xf32, #tpu.memory_space<vmem>>) target(%dma_start3A_103 : memref<64x128xf32, #tpu.memory_space<hbm>>) target_semaphore(%arg24 : memref<!tpu.dma_semaphore, #tpu.memory_space<semaphore_mem>>)
    %dma_wait3A_104 = arith.constant 0 : i32
    %dma_wait3A_105 = arith.constant 0 : i32
    %dma_wait3A_106 = tpu.memref_slice %arg3[%dma_wait3A_104, %dma_wait3A_105] : memref<100000x128xf32, #tpu.memory_space<hbm>> -> memref<64x128xf32, #tpu.memory_space<hbm>>
    %dma_wait3A_107 = arith.constant 0 : i32
    %dma_wait3A_108 = arith.constant 0 : i32
    %dma_wait3A_109 = tpu.memref_slice %arg3[%dma_wait3A_107, %dma_wait3A_108] : memref<100000x128xf32, #tpu.memory_space<hbm>> -> memref<64x128xf32, #tpu.memory_space<hbm>>
    tpu.wait_dma2 semaphore(%arg17 : memref<!tpu.dma_semaphore, #tpu.memory_space<semaphore_mem>>) src(%dma_wait3A_109 : memref<64x128xf32, #tpu.memory_space<hbm>>) dst(%arg9 : memref<64x128xf32, #tpu.memory_space<vmem>>)
    %add3A_110 = arith.constant 395 : i32
    %add3A_111 = arith.addi %mul3A_2, %add3A_110 : i32
    %mul3A_112 = arith.constant 64 : i32
    %mul3A_113 = arith.muli %add3A_111, %mul3A_112 : i32
    %dma_start3A_114 = arith.constant 0 : i32
    %dma_start3A_115 = tpu.memref_slice %arg4[%mul3A_113, %dma_start3A_114] : memref<819200x128xf32, #tpu.memory_space<hbm>> -> memref<64x128xf32, #tpu.memory_space<hbm>>
    %dma_start3A_116 = arith.constant 0 : i32
    %dma_start3A_117 = tpu.memref_slice %arg4[%mul3A_113, %dma_start3A_116] : memref<819200x128xf32, #tpu.memory_space<hbm>> -> memref<64x128xf32, #tpu.memory_space<hbm>>
    tpu.enqueue_dma source(%arg9 : memref<64x128xf32, #tpu.memory_space<vmem>>) target(%dma_start3A_117 : memref<64x128xf32, #tpu.memory_space<hbm>>) target_semaphore(%arg25 : memref<!tpu.dma_semaphore, #tpu.memory_space<semaphore_mem>>)
    %dma_wait3A_118 = arith.constant 0 : i32
    %dma_wait3A_119 = arith.constant 0 : i32
    %dma_wait3A_120 = tpu.memref_slice %arg3[%dma_wait3A_118, %dma_wait3A_119] : memref<100000x128xf32, #tpu.memory_space<hbm>> -> memref<64x128xf32, #tpu.memory_space<hbm>>
    %dma_wait3A_121 = arith.constant 0 : i32
    %dma_wait3A_122 = arith.constant 0 : i32
    %dma_wait3A_123 = tpu.memref_slice %arg3[%dma_wait3A_121, %dma_wait3A_122] : memref<100000x128xf32, #tpu.memory_space<hbm>> -> memref<64x128xf32, #tpu.memory_space<hbm>>
    tpu.wait_dma2 semaphore(%arg18 : memref<!tpu.dma_semaphore, #tpu.memory_space<semaphore_mem>>) src(%dma_wait3A_123 : memref<64x128xf32, #tpu.memory_space<hbm>>) dst(%arg10 : memref<64x128xf32, #tpu.memory_space<vmem>>)
    %add3A_124 = arith.constant 396 : i32
    %add3A_125 = arith.addi %mul3A_2, %add3A_124 : i32
    %mul3A_126 = arith.constant 64 : i32
    %mul3A_127 = arith.muli %add3A_125, %mul3A_126 : i32
    %dma_start3A_128 = arith.constant 0 : i32
    %dma_start3A_129 = tpu.memref_slice %arg4[%mul3A_127, %dma_start3A_128] : memref<819200x128xf32, #tpu.memory_space<hbm>> -> memref<64x128xf32, #tpu.memory_space<hbm>>
    %dma_start3A_130 = arith.constant 0 : i32
    %dma_start3A_131 = tpu.memref_slice %arg4[%mul3A_127, %dma_start3A_130] : memref<819200x128xf32, #tpu.memory_space<hbm>> -> memref<64x128xf32, #tpu.memory_space<hbm>>
    tpu.enqueue_dma source(%arg10 : memref<64x128xf32, #tpu.memory_space<vmem>>) target(%dma_start3A_131 : memref<64x128xf32, #tpu.memory_space<hbm>>) target_semaphore(%arg26 : memref<!tpu.dma_semaphore, #tpu.memory_space<semaphore_mem>>)
    %dma_wait3A_132 = arith.constant 0 : i32
    %dma_wait3A_133 = arith.constant 0 : i32
    %dma_wait3A_134 = tpu.memref_slice %arg3[%dma_wait3A_132, %dma_wait3A_133] : memref<100000x128xf32, #tpu.memory_space<hbm>> -> memref<64x128xf32, #tpu.memory_space<hbm>>
    %dma_wait3A_135 = arith.constant 0 : i32
    %dma_wait3A_136 = arith.constant 0 : i32
    %dma_wait3A_137 = tpu.memref_slice %arg3[%dma_wait3A_135, %dma_wait3A_136] : memref<100000x128xf32, #tpu.memory_space<hbm>> -> memref<64x128xf32, #tpu.memory_space<hbm>>
    tpu.wait_dma2 semaphore(%arg19 : memref<!tpu.dma_semaphore, #tpu.memory_space<semaphore_mem>>) src(%dma_wait3A_137 : memref<64x128xf32, #tpu.memory_space<hbm>>) dst(%arg11 : memref<64x128xf32, #tpu.memory_space<vmem>>)
    %add3A_138 = arith.constant 397 : i32
    %add3A_139 = arith.addi %mul3A_2, %add3A_138 : i32
    %mul3A_140 = arith.constant 64 : i32
    %mul3A_141 = arith.muli %add3A_139, %mul3A_140 : i32
    %dma_start3A_142 = arith.constant 0 : i32
    %dma_start3A_143 = tpu.memref_slice %arg4[%mul3A_141, %dma_start3A_142] : memref<819200x128xf32, #tpu.memory_space<hbm>> -> memref<64x128xf32, #tpu.memory_space<hbm>>
    %dma_start3A_144 = arith.constant 0 : i32
    %dma_start3A_145 = tpu.memref_slice %arg4[%mul3A_141, %dma_start3A_144] : memref<819200x128xf32, #tpu.memory_space<hbm>> -> memref<64x128xf32, #tpu.memory_space<hbm>>
    tpu.enqueue_dma source(%arg11 : memref<64x128xf32, #tpu.memory_space<vmem>>) target(%dma_start3A_145 : memref<64x128xf32, #tpu.memory_space<hbm>>) target_semaphore(%arg27 : memref<!tpu.dma_semaphore, #tpu.memory_space<semaphore_mem>>)
    %dma_wait3A_146 = arith.constant 0 : i32
    %dma_wait3A_147 = arith.constant 0 : i32
    %dma_wait3A_148 = tpu.memref_slice %arg3[%dma_wait3A_146, %dma_wait3A_147] : memref<100000x128xf32, #tpu.memory_space<hbm>> -> memref<64x128xf32, #tpu.memory_space<hbm>>
    %dma_wait3A_149 = arith.constant 0 : i32
    %dma_wait3A_150 = arith.constant 0 : i32
    %dma_wait3A_151 = tpu.memref_slice %arg3[%dma_wait3A_149, %dma_wait3A_150] : memref<100000x128xf32, #tpu.memory_space<hbm>> -> memref<64x128xf32, #tpu.memory_space<hbm>>
    tpu.wait_dma2 semaphore(%arg20 : memref<!tpu.dma_semaphore, #tpu.memory_space<semaphore_mem>>) src(%dma_wait3A_151 : memref<64x128xf32, #tpu.memory_space<hbm>>) dst(%arg12 : memref<64x128xf32, #tpu.memory_space<vmem>>)
    %add3A_152 = arith.constant 398 : i32
    %add3A_153 = arith.addi %mul3A_2, %add3A_152 : i32
    %mul3A_154 = arith.constant 64 : i32
    %mul3A_155 = arith.muli %add3A_153, %mul3A_154 : i32
    %dma_start3A_156 = arith.constant 0 : i32
    %dma_start3A_157 = tpu.memref_slice %arg4[%mul3A_155, %dma_start3A_156] : memref<819200x128xf32, #tpu.memory_space<hbm>> -> memref<64x128xf32, #tpu.memory_space<hbm>>
    %dma_start3A_158 = arith.constant 0 : i32
    %dma_start3A_159 = tpu.memref_slice %arg4[%mul3A_155, %dma_start3A_158] : memref<819200x128xf32, #tpu.memory_space<hbm>> -> memref<64x128xf32, #tpu.memory_space<hbm>>
    tpu.enqueue_dma source(%arg12 : memref<64x128xf32, #tpu.memory_space<vmem>>) target(%dma_start3A_159 : memref<64x128xf32, #tpu.memory_space<hbm>>) target_semaphore(%arg28 : memref<!tpu.dma_semaphore, #tpu.memory_space<semaphore_mem>>)
    %dma_wait3A_160 = arith.constant 0 : i32
    %dma_wait3A_161 = arith.constant 0 : i32
    %dma_wait3A_162 = tpu.memref_slice %arg3[%dma_wait3A_160, %dma_wait3A_161] : memref<100000x128xf32, #tpu.memory_space<hbm>> -> memref<64x128xf32, #tpu.memory_space<hbm>>
    %dma_wait3A_163 = arith.constant 0 : i32
    %dma_wait3A_164 = arith.constant 0 : i32
    %dma_wait3A_165 = tpu.memref_slice %arg3[%dma_wait3A_163, %dma_wait3A_164] : memref<100000x128xf32, #tpu.memory_space<hbm>> -> memref<64x128xf32, #tpu.memory_space<hbm>>
    tpu.wait_dma2 semaphore(%arg21 : memref<!tpu.dma_semaphore, #tpu.memory_space<semaphore_mem>>) src(%dma_wait3A_165 : memref<64x128xf32, #tpu.memory_space<hbm>>) dst(%arg13 : memref<64x128xf32, #tpu.memory_space<vmem>>)
    %add3A_166 = arith.constant 399 : i32
    %add3A_167 = arith.addi %mul3A_2, %add3A_166 : i32
    %mul3A_168 = arith.constant 64 : i32
    %mul3A_169 = arith.muli %add3A_167, %mul3A_168 : i32
    %dma_start3A_170 = arith.constant 0 : i32
    %dma_start3A_171 = tpu.memref_slice %arg4[%mul3A_169, %dma_start3A_170] : memref<819200x128xf32, #tpu.memory_space<hbm>> -> memref<64x128xf32, #tpu.memory_space<hbm>>
    %dma_start3A_172 = arith.constant 0 : i32
    %dma_start3A_173 = tpu.memref_slice %arg4[%mul3A_169, %dma_start3A_172] : memref<819200x128xf32, #tpu.memory_space<hbm>> -> memref<64x128xf32, #tpu.memory_space<hbm>>
    tpu.enqueue_dma source(%arg13 : memref<64x128xf32, #tpu.memory_space<vmem>>) target(%dma_start3A_173 : memref<64x128xf32, #tpu.memory_space<hbm>>) target_semaphore(%arg29 : memref<!tpu.dma_semaphore, #tpu.memory_space<semaphore_mem>>)
    %mul3A_174 = arith.constant 64 : i32
    %mul3A_175 = arith.muli %mul3A_2, %mul3A_174 : i32
    %dma_wait3A_176 = arith.constant 0 : i32
    %dma_wait3A_177 = tpu.memref_slice %arg4[%mul3A_175, %dma_wait3A_176] : memref<819200x128xf32, #tpu.memory_space<hbm>> -> memref<64x128xf32, #tpu.memory_space<hbm>>
    %dma_wait3A_178 = arith.constant 0 : i32
    %dma_wait3A_179 = tpu.memref_slice %arg4[%mul3A_175, %dma_wait3A_178] : memref<819200x128xf32, #tpu.memory_space<hbm>> -> memref<64x128xf32, #tpu.memory_space<hbm>>
    tpu.wait_dma2 semaphore(%arg22 : memref<!tpu.dma_semaphore, #tpu.memory_space<semaphore_mem>>) src(%arg6 : memref<64x128xf32, #tpu.memory_space<vmem>>) dst(%dma_wait3A_179 : memref<64x128xf32, #tpu.memory_space<hbm>>)
    %mul3A_180 = arith.constant 64 : i32
    %mul3A_181 = arith.muli %mul3A_2, %mul3A_180 : i32
    %dma_wait3A_182 = arith.constant 0 : i32
    %dma_wait3A_183 = tpu.memref_slice %arg4[%mul3A_181, %dma_wait3A_182] : memref<819200x128xf32, #tpu.memory_space<hbm>> -> memref<64x128xf32, #tpu.memory_space<hbm>>
    %dma_wait3A_184 = arith.constant 0 : i32
    %dma_wait3A_185 = tpu.memref_slice %arg4[%mul3A_181, %dma_wait3A_184] : memref<819200x128xf32, #tpu.memory_space<hbm>> -> memref<64x128xf32, #tpu.memory_space<hbm>>
    tpu.wait_dma2 semaphore(%arg23 : memref<!tpu.dma_semaphore, #tpu.memory_space<semaphore_mem>>) src(%arg7 : memref<64x128xf32, #tpu.memory_space<vmem>>) dst(%dma_wait3A_185 : memref<64x128xf32, #tpu.memory_space<hbm>>)
    %mul3A_186 = arith.constant 64 : i32
    %mul3A_187 = arith.muli %mul3A_2, %mul3A_186 : i32
    %dma_wait3A_188 = arith.constant 0 : i32
    %dma_wait3A_189 = tpu.memref_slice %arg4[%mul3A_187, %dma_wait3A_188] : memref<819200x128xf32, #tpu.memory_space<hbm>> -> memref<64x128xf32, #tpu.memory_space<hbm>>
    %dma_wait3A_190 = arith.constant 0 : i32
    %dma_wait3A_191 = tpu.memref_slice %arg4[%mul3A_187, %dma_wait3A_190] : memref<819200x128xf32, #tpu.memory_space<hbm>> -> memref<64x128xf32, #tpu.memory_space<hbm>>
    tpu.wait_dma2 semaphore(%arg24 : memref<!tpu.dma_semaphore, #tpu.memory_space<semaphore_mem>>) src(%arg8 : memref<64x128xf32, #tpu.memory_space<vmem>>) dst(%dma_wait3A_191 : memref<64x128xf32, #tpu.memory_space<hbm>>)
    %mul3A_192 = arith.constant 64 : i32
    %mul3A_193 = arith.muli %mul3A_2, %mul3A_192 : i32
    %dma_wait3A_194 = arith.constant 0 : i32
    %dma_wait3A_195 = tpu.memref_slice %arg4[%mul3A_193, %dma_wait3A_194] : memref<819200x128xf32, #tpu.memory_space<hbm>> -> memref<64x128xf32, #tpu.memory_space<hbm>>
    %dma_wait3A_196 = arith.constant 0 : i32
    %dma_wait3A_197 = tpu.memref_slice %arg4[%mul3A_193, %dma_wait3A_196] : memref<819200x128xf32, #tpu.memory_space<hbm>> -> memref<64x128xf32, #tpu.memory_space<hbm>>
    tpu.wait_dma2 semaphore(%arg25 : memref<!tpu.dma_semaphore, #tpu.memory_space<semaphore_mem>>) src(%arg9 : memref<64x128xf32, #tpu.memory_space<vmem>>) dst(%dma_wait3A_197 : memref<64x128xf32, #tpu.memory_space<hbm>>)
    %mul3A_198 = arith.constant 64 : i32
    %mul3A_199 = arith.muli %mul3A_2, %mul3A_198 : i32
    %dma_wait3A_200 = arith.constant 0 : i32
    %dma_wait3A_201 = tpu.memref_slice %arg4[%mul3A_199, %dma_wait3A_200] : memref<819200x128xf32, #tpu.memory_space<hbm>> -> memref<64x128xf32, #tpu.memory_space<hbm>>
    %dma_wait3A_202 = arith.constant 0 : i32
    %dma_wait3A_203 = tpu.memref_slice %arg4[%mul3A_199, %dma_wait3A_202] : memref<819200x128xf32, #tpu.memory_space<hbm>> -> memref<64x128xf32, #tpu.memory_space<hbm>>
    tpu.wait_dma2 semaphore(%arg26 : memref<!tpu.dma_semaphore, #tpu.memory_space<semaphore_mem>>) src(%arg10 : memref<64x128xf32, #tpu.memory_space<vmem>>) dst(%dma_wait3A_203 : memref<64x128xf32, #tpu.memory_space<hbm>>)
    %mul3A_204 = arith.constant 64 : i32
    %mul3A_205 = arith.muli %mul3A_2, %mul3A_204 : i32
    %dma_wait3A_206 = arith.constant 0 : i32
    %dma_wait3A_207 = tpu.memref_slice %arg4[%mul3A_205, %dma_wait3A_206] : memref<819200x128xf32, #tpu.memory_space<hbm>> -> memref<64x128xf32, #tpu.memory_space<hbm>>
    %dma_wait3A_208 = arith.constant 0 : i32
    %dma_wait3A_209 = tpu.memref_slice %arg4[%mul3A_205, %dma_wait3A_208] : memref<819200x128xf32, #tpu.memory_space<hbm>> -> memref<64x128xf32, #tpu.memory_space<hbm>>
    tpu.wait_dma2 semaphore(%arg27 : memref<!tpu.dma_semaphore, #tpu.memory_space<semaphore_mem>>) src(%arg11 : memref<64x128xf32, #tpu.memory_space<vmem>>) dst(%dma_wait3A_209 : memref<64x128xf32, #tpu.memory_space<hbm>>)
    %mul3A_210 = arith.constant 64 : i32
    %mul3A_211 = arith.muli %mul3A_2, %mul3A_210 : i32
    %dma_wait3A_212 = arith.constant 0 : i32
    %dma_wait3A_213 = tpu.memref_slice %arg4[%mul3A_211, %dma_wait3A_212] : memref<819200x128xf32, #tpu.memory_space<hbm>> -> memref<64x128xf32, #tpu.memory_space<hbm>>
    %dma_wait3A_214 = arith.constant 0 : i32
    %dma_wait3A_215 = tpu.memref_slice %arg4[%mul3A_211, %dma_wait3A_214] : memref<819200x128xf32, #tpu.memory_space<hbm>> -> memref<64x128xf32, #tpu.memory_space<hbm>>
    tpu.wait_dma2 semaphore(%arg28 : memref<!tpu.dma_semaphore, #tpu.memory_space<semaphore_mem>>) src(%arg12 : memref<64x128xf32, #tpu.memory_space<vmem>>) dst(%dma_wait3A_215 : memref<64x128xf32, #tpu.memory_space<hbm>>)
    %mul3A_216 = arith.constant 64 : i32
    %mul3A_217 = arith.muli %mul3A_2, %mul3A_216 : i32
    %dma_wait3A_218 = arith.constant 0 : i32
    %dma_wait3A_219 = tpu.memref_slice %arg4[%mul3A_217, %dma_wait3A_218] : memref<819200x128xf32, #tpu.memory_space<hbm>> -> memref<64x128xf32, #tpu.memory_space<hbm>>
    %dma_wait3A_220 = arith.constant 0 : i32
    %dma_wait3A_221 = tpu.memref_slice %arg4[%mul3A_217, %dma_wait3A_220] : memref<819200x128xf32, #tpu.memory_space<hbm>> -> memref<64x128xf32, #tpu.memory_space<hbm>>
    tpu.wait_dma2 semaphore(%arg29 : memref<!tpu.dma_semaphore, #tpu.memory_space<semaphore_mem>>) src(%arg13 : memref<64x128xf32, #tpu.memory_space<vmem>>) dst(%dma_wait3A_221 : memref<64x128xf32, #tpu.memory_space<hbm>>)
    return
  }
}

</mosaic_0001>

<sc_bundles>
// kernel: _lookup.3.cloned.1.call-start
scs
__scs_entry_jumppad:
0x0: {  	(pc) =	sbr.rel $0x88, $3  }
0x1: {  	(tag) =	ssettag $0x0;
	lr =	simm.s32 $0x1  }
0x2: {  	[smem:$0x3F9F] =	sst lr;
	_ =	strace $0xD0000000  }
0x3: {  	_ = 	snop  }
0x4: {  	_ = 	snop  }
0x5: {  	_ = 	snop  }
0x6: {  	_ = 	snop  }
0x7: {  	_ = 	snop  }
__scs_overlays_trampoline_lowered:
0x8: {  	[smem:$0x3FAE] =	sst s0  }
0x9: {  	[smem:$0x3FAF] =	sst s1  }
0xa: {  	[smem:$0x3FB0] =	sst s2  }
0xb: {  	[smem:$0x3FB1] =	sst s3  }
0xc: {  	[smem:$0x3FB2] =	sst s4  }
0xd: {  	[smem:$0x3FB3] =	sst s5  }
0xe: {  	[smem:$0x3FB4] =	sst s6  }
0xf: {  	[smem:$0x3FB5] =	sst s7  }
0x10: {  	[smem:$0x3FB6] =	sst s8  }
0x11: {  	[smem:$0x3FB7] =	sst s9;
	s0 =	simm.s32 @!p0 $0x0  }
0x12: {  	s1 =	sld [smem:$0x3F9D];
	s0 =	simm.s32 @p0 $0x1  }
0x13: {  	[smem:$0x3FB8] =	sst s0;
	s0 =	simm.s32 @!p1 $0x0  }
0x14: {  	s2 =	sld [smem:$0x3F9C];
	s0 =	simm.s32 @p1 $0x1  }
0x15: {  	[smem:$0x3FB9] =	sst s0;
	s0 =	simm.s32 @!p2 $0x0  }
0x16: {  	s3 =	sld [smem:$0x3FDB];
	s0 =	simm.s32 @p2 $0x1  }
0x17: {  	s4 =	simm.s32 $0x1BF5;
	[smem:$0x3FBB] =	sst s0  }
0x18: {  	s0 =	sld [smem:$0x3F9E];
	_ =	swait.ge [sflag:s4], $0x0  }
0x19: {  	s7 =	sld [smem:$0x3F9F]  }
0x1a: {  	s8 =	sadd.s32 $0xFFFFE003, lr  }
0x1b: {  	s9 =	sadd.s32 $0xFFFFFEF7, lr;
	s5 =	simm.s32 $0xFFFFFFFF;
	p2 =	slt.u32 s8, $0xFFFFF086  }
0x1c: {  	p1 =	slt.u32 s9, $0xF7A;
	s5 =	simm.s32 @!p2 $0x0  }
0x1d: {  	s5 =	simm.s32 @p1 $0x1;
	p0 =	seq.s32 s7, s2  }
0x1e: {  	s7 =	smul.u32 @!p0 $0xF7A, s2;
	p2 =	seq.s32 @!p0 s5, $0x0  }
0x1f: {  	s9 =	smul.u32 $0xF7A, s1;
	s8 =	simm.s32 @!p0 $0x1BF5;
	p2 =	por !p2, p0  }
0x20: {  	[sflag:s8] =	ssyncset.s32 @!p0 $0xFFFFF086;
	s6 =	sadd.s32 @!p0 s3, s7;
	s7 =	simm.s32 @!p0 $0x108  }
0x21: {  	s3 =	sadd.s32 s3, s9;
	s6 =	sadd.s32 @!p0 $0x88, s6;
	s7 =	simm.s32 @p2 $0x1082  }
0x22: {  	[simem:s7], [sflag:s8] =	dma.local @!p0 [hbm:s6], $0xF7A  }
0x23: {  	s9 =	sor.u32 $0xD0000000, s2;
	s6 =	simm.s32 $0x108;
	_ =	swait.ge @!p0 [sflag:s8], $0x0  }
0x24: {  	s3 =	sadd.s32 $0x88, s3;
	s6 =	simm.s32 @!p1 $0x1082;
	[sflag:s4] =	ssyncset.s32 $0xFFFFF086  }
0x25: {  	[simem:s6], [sflag:s4] =	dma.local [hbm:s3], $0xF7A  }
0x26: {  	[smem:$0x3F9F] =	sst s1;
	(tag) =	ssettag s2;
	_ =	strace s9  }
0x27: {  	s1 =	sld [smem:$0x3FAF]  }
0x28: {  	s2 =	sld [smem:$0x3FB0]  }
0x29: {  	s4 =	sld [smem:$0x3FB2]  }
0x2a: {  	p0 =	seq.s32 s5, $0x0;
	s5 =	sld [smem:$0x3FB3]  }
0x2b: {  	s6 =	sld [smem:$0x3FB4]  }
0x2c: {  	s7 =	sld [smem:$0x3FB5]  }
0x2d: {  	s3 =	simm.s32 $0x108;
	s8 =	sld [smem:$0x3FB6]  }
0x2e: {  	s3 =	simm.s32 @!p0 $0x1082;
	s9 =	sld [smem:$0x3FB7]  }
0x2f: {  	lr =	sadd.s32 s0, s3;
	s0 =	sld [smem:$0x3FAE]  }
0x30: {  	s3 =	sld [smem:$0x3FB1]  }
0x31: {  	[smem:$0x3FBA] =	sst s10  }
0x32: {  	s10 =	sld [smem:$0x3FB8];
	_ =	sdelay $0x3  }
0x33: {  	p0 =	seq.s32 s10, $0x1;
	s10 =	sld [smem:$0x3FBA];
	_ =	sdelay $0x3  }
0x34: {  	[smem:$0x3FBA] =	sst s10  }
0x35: {  	s10 =	sld [smem:$0x3FB9];
	_ =	sdelay $0x3  }
0x36: {  	p1 =	seq.s32 s10, $0x1;
	s10 =	sld [smem:$0x3FBA];
	_ =	sdelay $0x3  }
0x37: {  	[smem:$0x3FBA] =	sst s10  }
0x38: {  	s10 =	sld [smem:$0x3FBB]  }
0x39: {  	_ = 	snop;
	(pc) =	sbr.ind lr, $3  }
0x3a: {  	_ = 	snop  }
0x3b: {  	_ = 	snop  }
0x3c: {  	p2 =	seq.s32 s10, $0x1;
	s10 =	sld [smem:$0x3FBA]  }
0x3d: {  	_ =	shalt  }
0x3e: {  	_ =	shalt  }
0x3f: {  	_ =	shalt  }
0x40: {  	_ =	shalt  }
0x41: {  	_ =	shalt  }
0x42: {  	_ =	shalt  }
0x43: {  	_ =	shalt  }
0x44: {  	_ =	shalt  }
0x45: {  	_ =	shalt  }
0x46: {  	_ =	shalt  }
0x47: {  	_ =	shalt  }
0x48: {  	_ =	shalt  }
0x49: {  	_ =	shalt  }
0x4a: {  	_ =	shalt  }
0x4b: {  	_ =	shalt  }
0x4c: {  	_ =	shalt  }
0x4d: {  	_ =	shalt  }
0x4e: {  	_ =	shalt  }
0x4f: {  	_ =	shalt  }
0x50: {  	_ =	shalt  }
0x51: {  	_ =	shalt  }
0x52: {  	_ =	shalt  }
0x53: {  	_ =	shalt  }
0x54: {  	_ =	shalt  }
0x55: {  	_ =	shalt  }
0x56: {  	_ =	shalt  }
0x57: {  	_ =	shalt  }
0x58: {  	_ =	shalt  }
0x59: {  	_ =	shalt  }
0x5a: {  	_ =	shalt  }
0x5b: {  	_ =	shalt  }
0x5c: {  	_ =	shalt  }
0x5d: {  	_ =	shalt  }
0x5e: {  	_ =	shalt  }
0x5f: {  	_ =	shalt  }
0x60: {  	_ =	shalt  }
0x61: {  	_ =	shalt  }
0x62: {  	_ =	shalt  }
0x63: {  	_ =	shalt  }
0x64: {  	_ =	shalt  }
0x65: {  	_ =	shalt  }
0x66: {  	_ =	shalt  }
0x67: {  	_ =	shalt  }
0x68: {  	_ =	shalt  }
0x69: {  	_ =	shalt  }
0x6a: {  	_ =	shalt  }
0x6b: {  	_ =	shalt  }
0x6c: {  	_ =	shalt  }
0x6d: {  	_ =	shalt  }
0x6e: {  	_ =	shalt  }
0x6f: {  	_ =	shalt  }
0x70: {  	_ =	shalt  }
0x71: {  	_ =	shalt  }
0x72: {  	_ =	shalt  }
0x73: {  	_ =	shalt  }
0x74: {  	_ =	shalt  }
0x75: {  	_ =	shalt  }
0x76: {  	_ =	shalt  }
0x77: {  	_ =	shalt  }
0x78: {  	_ =	shalt  }
0x79: {  	_ =	shalt  }
0x7a: {  	_ =	shalt  }
0x7b: {  	_ =	shalt  }
0x7c: {  	_ =	shalt  }
0x7d: {  	_ =	shalt  }
0x7e: {  	_ =	shalt  }
0x7f: {  	_ =	shalt  }
0x80: {  	_ =	shalt  }
0x81: {  	_ =	shalt  }
0x82: {  	_ =	shalt  }
0x83: {  	_ =	shalt  }
0x84: {  	_ =	shalt  }
0x85: {  	_ =	shalt  }
0x86: {  	_ =	shalt  }
0x87: {  	_ =	shalt  }
.Lfunc_end0:
.L_simem_size_0:
called_computation_lowered:
.L_overlay_start_0:
0x88: {  	s2 =	sld [smem:$0x3FD9]  }
0x89: {  	s3 =	sld [smem:$0x3FFE];
	_ =	sdelay $0x1  }
0x8a: {  	s1 =	srdreg.scid  }
0x8b: {  	s0 =	sand.u32 $0x1, s1  }
0x8c: {  	s17 =	sshll.u32 s0, $0xA;
	s2 =	sadd.s32 s3, s2  }
0x8d: {  	s2 =	sadd.s32 s2, s17  }
0x8e: {  	[smem:$0x3FC6] =	sst s2  }
0x8f: {  	_ = 	snop  }
0x90: {  	s2 =	sld [smem:$0x3FC8]  }
0x91: {  	s18 =	sld [smem:$0x3FD0];
	(tm) =	ssettm $0x1  }
0x92: {  	s4 =	sld [smem:$0x3FFB];
	_ =	sdelay $0x3  }
0x93: {  	_ =	strace s4  }
0x94: {  	s4 =	sld [smem:$0x3FFC];
	_ =	sdelay $0x3  }
0x95: {  	_ =	strace s4  }
0x96: {  	s4 =	sld [smem:$0x3FFD];
	_ =	sdelay $0x3  }
0x97: {  	_ =	strace s4  }
0x98: {  	_ =	strace $0x8FFFFFFF  }
0x99: {  	s19 =	sld [smem:$0x3FDB];
	_ =	sdelay $0x1  }
0x9a: {  	s5 =	simm.s32 $_scs_section_size  }
0x9b: {  	s6 =	simm.s32 $_size__tile_overlayer_lowered;
	s7 =	simm.s32 $_tile_overlayer_lowered  }
0x9c: {  	s22 =	simm.s32 $0x1BFF;
	s21 =	sshll.u32 s7, $0x1;
	s4 =	sadd.s32 s5, s19  }
0x9d: {  	s8 =	simm.s32 $0x0;
	s20 =	sshll.u32 s6, $0x1;
	s6 =	sadd.s32 s21, s4  }
0x9e: {  	[timem:s8], [sflag:s22] =	dma.local [hbm:s6], s20  }
0x9f: {  	_ =	swait.ge [sflag:s22], s20  }
0xa0: {  	s5 =	ssub.s32 $0x0, s20;
	[sflag:s22] =	ssyncset.done $0x0  }
0xa1: {  	[sflag:s22] =	ssyncadd.s32 s5;
	_ =	sdelay $0x1  }
0xa2: {  	s23 =	simm.s32 $0x1B8B  }
0xa3: {  	_ =	swait.ge [sflag:s23], $0x1  }
0xa4: {  	[sflag:s23] =	ssyncset.done $0x0  }
0xa5: {  	s25 =	simm.s32 $0x1B8E;
	s24 =	sld [smem:$0x3FFE];
	[sflag:s23] =	ssyncadd.s32 $0xFFFFFFFF  }
0xa6: {  	s26 =	simm.s32 $execute0_lowered;
	[smem:$0x3FD2] =	sst s25  }
0xa7: {  	s6 =	sshll.u32 s26, $0x1;
	_ =	strace $0x80000046;
	[dreg:$0x1] =	wrdreg $0xFFFFFFFF  }
0xa8: {  	s28 =	simm.s32 $_size_execute0_lowered;
	s4 =	sadd.s32 s4, s6;
	[dreg:$0x0] =	wrdreg $0x0  }
0xa9: {  	s6 =	sshll.u32 s28, $0x1;
	[dreg:$0x2] =	wrdreg s4  }
0xaa: {  	[dreg:$0x3] =	wrdreg s6  }
0xab: {  	[dreg:$0x4] =	wrdreg $0xC0  }
0xac: {  	_ =	task [dreg:s8], $0x5FFFF  }
0xad: {  	[dreg:$0x1] =	wrdreg $0xFFFFFFFF  }
0xae: {  	[dreg:$0x0] =	wrdreg $0x60  }
0xaf: {  	[dreg:$0x2] =	wrdreg s24  }
0xb0: {  	[dreg:$0x3] =	wrdreg s2  }
0xb1: {  	[dreg:$0x4] =	wrdreg s18  }
0xb2: {  	[dreg:$0x5] =	wrdreg $0x9  }
0xb3: {  	_ =	task.clear_ibuf [dreg:s8], $0x6FFFF;
	_ =	strace $0x90000046  }
0xb4: {  	s29 =	simm.s32 $0x9;
	_ =	strace $0x80000048  }
0xb5: {  	_ =	swait.ge [sflag:s29], $0x1  }
0xb6: {  	[sflag:s29] =	ssyncadd.s32 $0xFFFFFFFF  }
0xb7: {  	_ =	strace $0x90000048  }
0xb8: {  	_ =	sfence  }
0xb9: {  	s30 =	sld [smem:$0x0];
	_ =	sdelay $0x2  }
0xba: {  	s31 =	sshll.u32 s1, $0xD;
	s1 =	sshrl.u32 s1, $0x2  }
0xbb: {  	s3 =	sand.u32 $0x4000, s31;
	s1 =	sadd.s32 s1, s30  }
0xbc: {  	s0 =	sor.u32 s3, s0;
	s1 =	sshll.u32 s1, $0x11  }
0xbd: {  	s0 =	sor.u32 s1, s0  }
0xbe: {  	s0 =	sadd.s32 $0x8F2B, s0  }
0xbf: {  	[sflag:s0] =	ssyncadd.remote.s32 $0x1  }
0xc0: {  	_ =	sfence.sel $0xFFFF  }
0xc1: {  	[dreg:$0x0] =	wrdreg $0xFFFFFFFF;
	(pc) =	sbr.abs _section_cstart, $3  }
0xc2: {  	[dreg:$0x1] =	wrdreg $0xFFFFFFFF  }
0xc3: {  	_ =	task.clear_ibuf [dreg:s8], $0x2FFFF;
	_ =	strace $0x9FFFFFFF  }
0xc4: {  	(tm) =	ssettm $0x7FFFFFFF  }
0xc5: {  	_ =	shalt  }
tec
execute0_lowered:
.L_overlay_start_1:
0x0: {  	(tag) =	ssettag $0x1  }
0x1: {  	s0 =	rddreg [dreg:$0x0];
	s1 =	srdreg.scid  }
0x2: {  	s9 =	stileid.u32;
	s2 =	rddreg [dreg:$0x1]  }
0x3: {  	s8 =	rddreg [dreg:$0x2];
	s4 =	simm.s32 $0x0;
	s6 =	smul.u32 $0x320, s9  }
0x4: {  	s28 =	simm.s32 $0x5;
	s1 =	sand.u32 $0x1, s1;
	s23 =	smul.u32 $0xC8000, s9  }
0x5: {  	s30 =	simm.s32 $0x6;
	s3 =	sshll.u32 s9, $0x1;
	s14 =	smul.u32 $0x190, s1  }
0x6: {  	s3 =	sor.u32 s1, s3;
	s13 =	ssub.s32 $0x2, s1;
	s1 =	smul.u32 $0x64000, s1  }
0x7: {  	s10 =	simm.s32 $0xD;
	[smem:$0x7FF] =	sst s4;
	s5 =	smul.u32 $0x1900, s3  }
0x8: {  	s12 =	simm.s32 $0xE;
	_ =	strace $0x80000047;
	s3 =	smul.u32 $0x320000, s3  }
0x9: {  	s18 =	sadd.s32 s14, s6;
	s29 =	sadd.s32 s1, s23;
	s0 =	sadd.s32 s5, s0  }
0xa: {  	s18 =	sshll.u32 s18, $0xA;
	[dreg:$0x7] =	wrdreg s29;
	s0 =	sadd.s32 $0x400, s0  }
0xb: {  	s7 =	sshrl.u32 s13, $0x1;
	s22 =	sor.u32 $0x1800, s18;
	[dreg:$0x8] =	wrdreg s0  }
0xc: {  	s3 =	sshrl.u32 s3, $0x3;
	s24 =	sor.u32 $0x1000, s18;
	[dreg:$0x4] =	wrdreg s22  }
0xd: {  	s5 =	ssub.s32 s13, s7;
	s26 =	sor.u32 $0x800, s18;
	[dreg:$0x5] =	wrdreg s24  }
0xe: {  	s3 =	sadd.s32 s8, s3;
	s31 =	smax.u32 s5, $0x1;
	[dreg:$0x6] =	wrdreg s26  }
0xf: {  	s9 =	simm.s32 $0xC;
	s15 =	sadd.s32 $0x62000, s3;
	[dreg:$0x11] =	wrdreg s31  }
0x10: {  	s23 =	simm.s32 $0x3;
	s16 =	sadd.s32 $0x62400, s3;
	[dreg:$0x9] =	wrdreg s15  }
0x11: {  	s1 =	simm.s32 $0x7;
	s17 =	sadd.s32 $0x62800, s3;
	[dreg:$0xa] =	wrdreg s16  }
0x12: {  	s6 =	simm.s32 $0x9;
	s19 =	sadd.s32 $0x62C00, s3;
	[dreg:$0xb] =	wrdreg s17  }
0x13: {  	s14 =	simm.s32 $0x10;
	s20 =	sadd.s32 $0x63000, s3;
	[dreg:$0xc] =	wrdreg s19  }
0x14: {  	s7 =	simm.s32 $0xA;
	s21 =	sadd.s32 $0x63400, s3;
	[dreg:$0xd] =	wrdreg s20  }
0x15: {  	s13 =	simm.s32 $0xF;
	s25 =	sadd.s32 $0x63800, s3;
	[dreg:$0xe] =	wrdreg s21  }
0x16: {  	s5 =	simm.s32 $0x8;
	s3 =	sadd.s32 $0x63C00, s3;
	[dreg:$0xf] =	wrdreg s25  }
0x17: {  	s8 =	simm.s32 $0xB;
	s0 =	simm.s32 $0x0;
	[dreg:$0x10] =	wrdreg s3  }
0x18: {  	s17 =	simm.s32 $0x40;
	s25 =	simm.s32 $0x4;
	s21 =	simm.s32 $0x1A800  }
.LBB2_1:
0x19: {  	[dreg:$0x12] =	wrdreg s0  }
0x1a: {  	s3 =	rddreg [dreg:$0x8];
	s22 =	simm.s32 $0x11  }
0x1b: {  	[tilespmem:s4], [sflag:$0x11] =	stream.linear.gather [hbm4b:s3+s4], $0xC800, $0x38;
	[tilespmem:$0x1C800] =	vst v63  }
0x1c: {  	_ =	swait.ge [sflag:s22], $0xC800  }
0x1d: {  	[sflag:s22] =	ssyncset.done $0x0  }
0x1e: {  	s16 =	simm.s32 $0xC800;
	[sflag:s22] =	ssyncadd.s32 $0xFFFF3800  }
0x1f: {  	[tilespmem:s16], [sflag:$0x1] =	stream.indirect.gather [hbm4b:s2+s17], $0x80, s4, s17, $0xb8;
	[tilespmem:$0x1C800] =	vst v63  }
0x20: {  	s24 =	simm.s32 $0x80;
	s20 =	simm.s32 $0xE800  }
0x21: {  	[tilespmem:s20], [sflag:$0x2] =	stream.indirect.gather [hbm4b:s2+s17], $0x80, s24, s17, $0xb8;
	[tilespmem:$0x1C800] =	vst v63  }
0x22: {  	s26 =	simm.s32 $0x100;
	s22 =	simm.s32 $0x10800  }
0x23: {  	[tilespmem:s22], [sflag:$0x3] =	stream.indirect.gather [hbm4b:s2+s17], $0x80, s26, s17, $0xb8;
	[tilespmem:$0x1C800] =	vst v63  }
0x24: {  	s29 =	simm.s32 $0x180;
	s24 =	simm.s32 $0x12800  }
0x25: {  	[tilespmem:s24], [sflag:$0x4] =	stream.indirect.gather [hbm4b:s2+s17], $0x80, s29, s17, $0xb8;
	[tilespmem:$0x1C800] =	vst v63  }
0x26: {  	s31 =	simm.s32 $0x200;
	s26 =	simm.s32 $0x14800  }
0x27: {  	[tilespmem:s26], [sflag:$0x5] =	stream.indirect.gather [hbm4b:s2+s17], $0x80, s31, s17, $0xb8;
	[tilespmem:$0x1C800] =	vst v63  }
0x28: {  	s0 =	simm.s32 $0x280;
	s29 =	simm.s32 $0x16800  }
0x29: {  	[tilespmem:s29], [sflag:$0x6] =	stream.indirect.gather [hbm4b:s2+s17], $0x80, s0, s17, $0xb8;
	[tilespmem:$0x1C800] =	vst v63  }
0x2a: {  	s11 =	simm.s32 $0x300;
	s31 =	simm.s32 $0x18800  }
0x2b: {  	[tilespmem:s31], [sflag:$0x7] =	stream.indirect.gather [hbm4b:s2+s17], $0x80, s11, s17, $0xb8;
	[tilespmem:$0x1C800] =	vst v63  }
0x2c: {  	s15 =	simm.s32 $0x380;
	s19 =	simm.s32 $0x1A800;
	s3 =	simm.s32 $0x1  }
0x2d: {  	[tilespmem:s19], [sflag:$0x8] =	stream.indirect.gather [hbm4b:s2+s17], $0x80, s15, s17, $0xb8;
	[tilespmem:$0x1C800] =	vst v63  }
0x2e: {  	_ =	swait.ge [sflag:s3], $0x2000  }
0x2f: {  	[sflag:s3] =	ssyncset.done $0x0  }
0x30: {  	s11 =	rddreg [dreg:$0x7];
	[sflag:s3] =	ssyncadd.s32 $0xFFFFE000  }
0x31: {  	s15 =	rddreg [dreg:$0x2]  }
0x32: {  	s3 =	sadd.s32 s15, s11;
	s11 =	simm.s32 $0x2  }
0x33: {  	[hbm4b:s3+s4] =	stream.linear.scatter [tilespmem:s16], [sflag:$0x9], $0x2000, $0x38;
	[tilespmem:$0x1C800] =	vst v63  }
0x34: {  	_ =	swait.ge [sflag:s11], $0x2000  }
0x35: {  	s3 =	sadd.s32 s15, s18;
	[sflag:s11] =	ssyncset.done $0x0  }
0x36: {  	[sflag:s11] =	ssyncadd.s32 $0xFFFFE000;
	s11 =	sadd.s32 $0x400, s3  }
0x37: {  	[hbm4b:s11+s4] =	stream.linear.scatter [tilespmem:s20], [sflag:$0xA], $0x2000, $0x38;
	[tilespmem:$0x1C800] =	vst v63  }
0x38: {  	_ =	swait.ge [sflag:s23], $0x2000  }
0x39: {  	s0 =	rddreg [dreg:$0x6];
	[sflag:s23] =	ssyncset.done $0x0  }
0x3a: {  	[sflag:s23] =	ssyncadd.s32 $0xFFFFE000;
	s11 =	sadd.s32 s15, s0  }
0x3b: {  	[hbm4b:s11+s4] =	stream.linear.scatter [tilespmem:s22], [sflag:$0xB], $0x2000, $0x38;
	[tilespmem:$0x1C800] =	vst v63  }
0x3c: {  	_ =	swait.ge [sflag:s25], $0x2000  }
0x3d: {  	[sflag:s25] =	ssyncset.done $0x0  }
0x3e: {  	s0 =	sadd.s32 $0xC00, s3;
	[sflag:s25] =	ssyncadd.s32 $0xFFFFE000  }
0x3f: {  	[hbm4b:s0+s4] =	stream.linear.scatter [tilespmem:s24], [sflag:$0xC], $0x2000, $0x38;
	[tilespmem:$0x1C800] =	vst v63  }
0x40: {  	_ =	swait.ge [sflag:s28], $0x2000  }
0x41: {  	s0 =	rddreg [dreg:$0x5];
	[sflag:s28] =	ssyncset.done $0x0  }
0x42: {  	[sflag:s28] =	ssyncadd.s32 $0xFFFFE000;
	s11 =	sadd.s32 s15, s0  }
0x43: {  	[hbm4b:s11+s4] =	stream.linear.scatter [tilespmem:s26], [sflag:$0xD], $0x2000, $0x38;
	[tilespmem:$0x1C800] =	vst v63  }
0x44: {  	_ =	swait.ge [sflag:s30], $0x2000  }
0x45: {  	[sflag:s30] =	ssyncset.done $0x0  }
0x46: {  	s0 =	sadd.s32 $0x1400, s3;
	[sflag:s30] =	ssyncadd.s32 $0xFFFFE000  }
0x47: {  	[hbm4b:s0+s4] =	stream.linear.scatter [tilespmem:s29], [sflag:$0xE], $0x2000, $0x38;
	[tilespmem:$0x1C800] =	vst v63  }
0x48: {  	_ =	swait.ge [sflag:s1], $0x2000  }
0x49: {  	s0 =	rddreg [dreg:$0x4];
	[sflag:s1] =	ssyncset.done $0x0  }
0x4a: {  	[sflag:s1] =	ssyncadd.s32 $0xFFFFE000;
	s11 =	sadd.s32 s15, s0  }
0x4b: {  	[hbm4b:s11+s4] =	stream.linear.scatter [tilespmem:s31], [sflag:$0xF], $0x2000, $0x38;
	[tilespmem:$0x1C800] =	vst v63  }
0x4c: {  	_ =	swait.ge [sflag:s5], $0x2000  }
0x4d: {  	[sflag:s5] =	ssyncset.done $0x0  }
0x4e: {  	s3 =	sadd.s32 $0x1C00, s3;
	[sflag:s5] =	ssyncadd.s32 $0xFFFFE000  }
0x4f: {  	[hbm4b:s3+s4] =	stream.linear.scatter [tilespmem:s19], [sflag:$0x10], $0x2000, $0x38;
	[tilespmem:$0x1C800] =	vst v63  }
0x50: {  	_ =	swait.ge [sflag:s6], $0x2000  }
0x51: {  	[sflag:s6] =	ssyncset.done $0x0  }
0x52: {  	s11 =	simm.s32 $0x400;
	[sflag:s6] =	ssyncadd.s32 $0xFFFFE000  }
0x53: {  	[tilespmem:s16], [sflag:$0x1] =	stream.indirect.gather [hbm4b:s2+s17], $0x80, s11, s17, $0xb8;
	[tilespmem:$0x1C800] =	vst v63  }
0x54: {  	_ =	swait.ge [sflag:s7], $0x2000  }
0x55: {  	[sflag:s7] =	ssyncset.done $0x0  }
0x56: {  	s19 =	simm.s32 $0x480;
	[sflag:s7] =	ssyncadd.s32 $0xFFFFE000  }
0x57: {  	[tilespmem:s20], [sflag:$0x2] =	stream.indirect.gather [hbm4b:s2+s17], $0x80, s19, s17, $0xb8;
	[tilespmem:$0x1C800] =	vst v63  }
0x58: {  	_ =	swait.ge [sflag:s8], $0x2000  }
0x59: {  	[sflag:s8] =	ssyncset.done $0x0  }
0x5a: {  	s20 =	simm.s32 $0x500;
	[sflag:s8] =	ssyncadd.s32 $0xFFFFE000  }
0x5b: {  	[tilespmem:s22], [sflag:$0x3] =	stream.indirect.gather [hbm4b:s2+s17], $0x80, s20, s17, $0xb8;
	[tilespmem:$0x1C800] =	vst v63  }
0x5c: {  	_ =	swait.ge [sflag:s9], $0x2000  }
0x5d: {  	[sflag:s9] =	ssyncset.done $0x0  }
0x5e: {  	s22 =	simm.s32 $0x580;
	[sflag:s9] =	ssyncadd.s32 $0xFFFFE000  }
0x5f: {  	[tilespmem:s24], [sflag:$0x4] =	stream.indirect.gather [hbm4b:s2+s17], $0x80, s22, s17, $0xb8;
	[tilespmem:$0x1C800] =	vst v63  }
0x60: {  	_ =	swait.ge [sflag:s10], $0x2000  }
0x61: {  	[sflag:s10] =	ssyncset.done $0x0  }
0x62: {  	s24 =	simm.s32 $0x600;
	[sflag:s10] =	ssyncadd.s32 $0xFFFFE000  }
0x63: {  	[tilespmem:s26], [sflag:$0x5] =	stream.indirect.gather [hbm4b:s2+s17], $0x80, s24, s17, $0xb8;
	[tilespmem:$0x1C800] =	vst v63  }
0x64: {  	_ =	swait.ge [sflag:s12], $0x2000  }
0x65: {  	[sflag:s12] =	ssyncset.done $0x0  }
0x66: {  	s26 =	simm.s32 $0x680;
	[sflag:s12] =	ssyncadd.s32 $0xFFFFE000  }
0x67: {  	[tilespmem:s29], [sflag:$0x6] =	stream.indirect.gather [hbm4b:s2+s17], $0x80, s26, s17, $0xb8;
	[tilespmem:$0x1C800] =	vst v63  }
0x68: {  	_ =	swait.ge [sflag:s13], $0x2000  }
0x69: {  	[sflag:s13] =	ssyncset.done $0x0  }
0x6a: {  	s29 =	simm.s32 $0x700;
	[sflag:s13] =	ssyncadd.s32 $0xFFFFE000  }
0x6b: {  	[tilespmem:s31], [sflag:$0x7] =	stream.indirect.gather [hbm4b:s2+s17], $0x80, s29, s17, $0xb8;
	[tilespmem:$0x1C800] =	vst v63  }
0x6c: {  	_ =	swait.ge [sflag:s14], $0x2000  }
0x6d: {  	s3 =	sadd.s32 $0x2000, s15;
	[sflag:s14] =	ssyncset.done $0x0  }
0x6e: {  	s16 =	simm.s32 $0x1000;
	s11 =	simm.s32 $0x780;
	[sflag:s14] =	ssyncadd.s32 $0xFFFFE000  }
.LBB2_2:
0x6f: {  	[tilespmem:s21], [sflag:$0x8] =	stream.indirect.gather [hbm4b:s2+s17], $0x80, s11, s17, $0xb8;
	[tilespmem:$0x1C800] =	vst v63  }
0x70: {  	s0 =	simm.s32 $0x1  }
0x71: {  	_ =	swait.ge [sflag:s0], $0x2000  }
0x72: {  	s24 =	simm.s32 $0x2;
	s22 =	rddreg [dreg:$0x7];
	[sflag:s0] =	ssyncset.done $0x0  }
0x73: {  	[sflag:s0] =	ssyncadd.s32 $0xFFFFE000;
	s11 =	sadd.s32 s3, s22;
	s22 =	simm.s32 $0xC800  }
0x74: {  	[hbm4b:s11+s4] =	stream.linear.scatter [tilespmem:s22], [sflag:$0x9], $0x2000, $0x38;
	[tilespmem:$0x1C800] =	vst v63  }
0x75: {  	_ =	swait.ge [sflag:s24], $0x2000  }
0x76: {  	s11 =	sadd.s32 s3, s18;
	[sflag:s24] =	ssyncset.done $0x0  }
0x77: {  	s26 =	sadd.s32 $0x400, s11;
	[sflag:s24] =	ssyncadd.s32 $0xFFFFE000;
	s24 =	simm.s32 $0xE800  }
0x78: {  	[hbm4b:s26+s4] =	stream.linear.scatter [tilespmem:s24], [sflag:$0xA], $0x2000, $0x38;
	[tilespmem:$0x1C800] =	vst v63  }
0x79: {  	_ =	swait.ge [sflag:s23], $0x2000  }
0x7a: {  	s20 =	smov.u32 s18;
	s0 =	rddreg [dreg:$0x6];
	[sflag:s23] =	ssyncset.done $0x0  }
0x7b: {  	s26 =	simm.s32 $0x10800;
	[sflag:s23] =	ssyncadd.s32 $0xFFFFE000;
	s18 =	sadd.s32 s3, s0  }
0x7c: {  	[hbm4b:s18+s4] =	stream.linear.scatter [tilespmem:s26], [sflag:$0xB], $0x2000, $0x38;
	[tilespmem:$0x1C800] =	vst v63  }
0x7d: {  	_ =	swait.ge [sflag:s25], $0x2000  }
0x7e: {  	[sflag:s25] =	ssyncset.done $0x0  }
0x7f: {  	s29 =	simm.s32 $0x12800;
	s19 =	sadd.s32 $0xC00, s11;
	[sflag:s25] =	ssyncadd.s32 $0xFFFFE000  }
0x80: {  	[hbm4b:s19+s4] =	stream.linear.scatter [tilespmem:s29], [sflag:$0xC], $0x2000, $0x38;
	[tilespmem:$0x1C800] =	vst v63  }
0x81: {  	_ =	swait.ge [sflag:s28], $0x2000  }
0x82: {  	s0 =	rddreg [dreg:$0x5];
	[sflag:s28] =	ssyncset.done $0x0  }
0x83: {  	s31 =	simm.s32 $0x14800;
	[sflag:s28] =	ssyncadd.s32 $0xFFFFE000;
	s18 =	sadd.s32 s3, s0  }
0x84: {  	[hbm4b:s18+s4] =	stream.linear.scatter [tilespmem:s31], [sflag:$0xD], $0x2000, $0x38;
	[tilespmem:$0x1C800] =	vst v63  }
0x85: {  	_ =	swait.ge [sflag:s30], $0x2000  }
0x86: {  	[sflag:s30] =	ssyncset.done $0x0  }
0x87: {  	s19 =	sadd.s32 $0x1400, s11;
	s0 =	simm.s32 $0x16800;
	[sflag:s30] =	ssyncadd.s32 $0xFFFFE000  }
0x88: {  	[hbm4b:s19+s4] =	stream.linear.scatter [tilespmem:s0], [sflag:$0xE], $0x2000, $0x38;
	[tilespmem:$0x1C800] =	vst v63  }
0x89: {  	_ =	swait.ge [sflag:s1], $0x2000  }
0x8a: {  	s19 =	rddreg [dreg:$0x4];
	[sflag:s1] =	ssyncset.done $0x0  }
0x8b: {  	[sflag:s1] =	ssyncadd.s32 $0xFFFFE000;
	s18 =	sadd.s32 s3, s19;
	s19 =	simm.s32 $0x18800  }
0x8c: {  	[hbm4b:s18+s4] =	stream.linear.scatter [tilespmem:s19], [sflag:$0xF], $0x2000, $0x38;
	[tilespmem:$0x1C800] =	vst v63  }
0x8d: {  	_ =	swait.ge [sflag:s5], $0x2000  }
0x8e: {  	[sflag:s5] =	ssyncset.done $0x0  }
0x8f: {  	s11 =	sadd.s32 $0x1C00, s11;
	[sflag:s5] =	ssyncadd.s32 $0xFFFFE000  }
0x90: {  	[hbm4b:s11+s4] =	stream.linear.scatter [tilespmem:s21], [sflag:$0x10], $0x2000, $0x38;
	[tilespmem:$0x1C800] =	vst v63  }
0x91: {  	s15 =	smov.u32 s16;
	_ =	swait.ge [sflag:s6], $0x2000  }
0x92: {  	s11 =	sshra.s32 s15, $0x2;
	[sflag:s6] =	ssyncset.done $0x0  }
0x93: {  	s15 =	sadd.s32 $0x400, s11;
	[sflag:s6] =	ssyncadd.s32 $0xFFFFE000  }
0x94: {  	[tilespmem:s22], [sflag:$0x1] =	stream.indirect.gather [hbm4b:s2+s17], $0x80, s15, s17, $0xb8;
	[tilespmem:$0x1C800] =	vst v63  }
0x95: {  	_ =	swait.ge [sflag:s7], $0x2000  }
0x96: {  	[sflag:s7] =	ssyncset.done $0x0  }
0x97: {  	s15 =	sadd.s32 $0x480, s11;
	[sflag:s7] =	ssyncadd.s32 $0xFFFFE000  }
0x98: {  	[tilespmem:s24], [sflag:$0x2] =	stream.indirect.gather [hbm4b:s2+s17], $0x80, s15, s17, $0xb8;
	[tilespmem:$0x1C800] =	vst v63  }
0x99: {  	_ =	swait.ge [sflag:s8], $0x2000  }
0x9a: {  	[sflag:s8] =	ssyncset.done $0x0  }
0x9b: {  	s15 =	sadd.s32 $0x500, s11;
	[sflag:s8] =	ssyncadd.s32 $0xFFFFE000  }
0x9c: {  	[tilespmem:s26], [sflag:$0x3] =	stream.indirect.gather [hbm4b:s2+s17], $0x80, s15, s17, $0xb8;
	[tilespmem:$0x1C800] =	vst v63  }
0x9d: {  	_ =	swait.ge [sflag:s9], $0x2000  }
0x9e: {  	[sflag:s9] =	ssyncset.done $0x0  }
0x9f: {  	s15 =	sadd.s32 $0x580, s11;
	[sflag:s9] =	ssyncadd.s32 $0xFFFFE000  }
0xa0: {  	[tilespmem:s29], [sflag:$0x4] =	stream.indirect.gather [hbm4b:s2+s17], $0x80, s15, s17, $0xb8;
	[tilespmem:$0x1C800] =	vst v63  }
0xa1: {  	_ =	swait.ge [sflag:s10], $0x2000  }
0xa2: {  	[sflag:s10] =	ssyncset.done $0x0  }
0xa3: {  	s15 =	sadd.s32 $0x600, s11;
	[sflag:s10] =	ssyncadd.s32 $0xFFFFE000  }
0xa4: {  	[tilespmem:s31], [sflag:$0x5] =	stream.indirect.gather [hbm4b:s2+s17], $0x80, s15, s17, $0xb8;
	[tilespmem:$0x1C800] =	vst v63  }
0xa5: {  	_ =	swait.ge [sflag:s12], $0x2000  }
0xa6: {  	p0 =	sne.s32 s16, $0x30000;
	[sflag:s12] =	ssyncset.done $0x0  }
0xa7: {  	s16 =	sadd.s32 $0x1000, s16;
	s15 =	sadd.s32 $0x680, s11;
	[sflag:s12] =	ssyncadd.s32 $0xFFFFE000  }
0xa8: {  	[tilespmem:s0], [sflag:$0x6] =	stream.indirect.gather [hbm4b:s2+s17], $0x80, s15, s17, $0xb8;
	[tilespmem:$0x1C800] =	vst v63  }
0xa9: {  	s3 =	sadd.s32 $0x2000, s3;
	s18 =	smov.u32 s20;
	_ =	swait.ge [sflag:s13], $0x2000  }
0xaa: {  	s20 =	simm.s32 $0xC800;
	s22 =	simm.s32 $0xE800;
	[sflag:s13] =	ssyncset.done $0x0  }
.Ltmp0:
0xab: {  	s15 =	sadd.s32 $0x700, s11;
	[sflag:s13] =	ssyncadd.s32 $0xFFFFE000;
	(pc) =	sbr.rel @p0 .LBB2_2-.Ltmp0, $4  }
0xac: {  	[tilespmem:s19], [sflag:$0x7] =	stream.indirect.gather [hbm4b:s2+s17], $0x80, s15, s17, $0xb8;
	[tilespmem:$0x1C800] =	vst v63  }
0xad: {  	s24 =	simm.s32 $0x10800;
	s26 =	simm.s32 $0x12800;
	_ =	swait.ge [sflag:s14], $0x2000  }
0xae: {  	s29 =	simm.s32 $0x14800;
	s31 =	simm.s32 $0x16800;
	[sflag:s14] =	ssyncset.done $0x0  }
0xaf: {  	s0 =	simm.s32 $0x18800;
	s11 =	sadd.s32 $0x780, s11;
	[sflag:s14] =	ssyncadd.s32 $0xFFFFE000  }
0xb0: {  	s15 =	simm.s32 $0x1A800;
	s3 =	simm.s32 $0x1  }
0xb1: {  	[tilespmem:s15], [sflag:$0x8] =	stream.indirect.gather [hbm4b:s2+s17], $0x80, s11, s17, $0xb8;
	[tilespmem:$0x1C800] =	vst v63  }
0xb2: {  	_ =	swait.ge [sflag:s3], $0x2000  }
0xb3: {  	[sflag:s3] =	ssyncset.done $0x0  }
0xb4: {  	s19 =	rddreg [dreg:$0x9];
	[sflag:s3] =	ssyncadd.s32 $0xFFFFE000  }
0xb5: {  	[hbm4b:s19+s4] =	stream.linear.scatter [tilespmem:s20], [sflag:$0x9], $0x2000, $0x38;
	[tilespmem:$0x1C800] =	vst v63  }
0xb6: {  	s20 =	simm.s32 $0x2  }
0xb7: {  	_ =	swait.ge [sflag:s20], $0x2000  }
0xb8: {  	[sflag:s20] =	ssyncset.done $0x0  }
0xb9: {  	s11 =	rddreg [dreg:$0xa];
	[sflag:s20] =	ssyncadd.s32 $0xFFFFE000  }
0xba: {  	[hbm4b:s11+s4] =	stream.linear.scatter [tilespmem:s22], [sflag:$0xA], $0x2000, $0x38;
	[tilespmem:$0x1C800] =	vst v63  }
0xbb: {  	_ =	swait.ge [sflag:s23], $0x2000  }
0xbc: {  	[sflag:s23] =	ssyncset.done $0x0  }
0xbd: {  	s16 =	rddreg [dreg:$0xb];
	[sflag:s23] =	ssyncadd.s32 $0xFFFFE000  }
0xbe: {  	[hbm4b:s16+s4] =	stream.linear.scatter [tilespmem:s24], [sflag:$0xB], $0x2000, $0x38;
	[tilespmem:$0x1C800] =	vst v63  }
0xbf: {  	_ =	swait.ge [sflag:s25], $0x2000  }
0xc0: {  	[sflag:s25] =	ssyncset.done $0x0  }
0xc1: {  	s19 =	rddreg [dreg:$0xc];
	[sflag:s25] =	ssyncadd.s32 $0xFFFFE000  }
0xc2: {  	[hbm4b:s19+s4] =	stream.linear.scatter [tilespmem:s26], [sflag:$0xC], $0x2000, $0x38;
	[tilespmem:$0x1C800] =	vst v63  }
0xc3: {  	_ =	swait.ge [sflag:s28], $0x2000  }
0xc4: {  	[sflag:s28] =	ssyncset.done $0x0  }
0xc5: {  	s20 =	rddreg [dreg:$0xd];
	[sflag:s28] =	ssyncadd.s32 $0xFFFFE000  }
0xc6: {  	[hbm4b:s20+s4] =	stream.linear.scatter [tilespmem:s29], [sflag:$0xD], $0x2000, $0x38;
	[tilespmem:$0x1C800] =	vst v63  }
0xc7: {  	_ =	swait.ge [sflag:s30], $0x2000  }
0xc8: {  	[sflag:s30] =	ssyncset.done $0x0  }
0xc9: {  	s22 =	rddreg [dreg:$0xe];
	[sflag:s30] =	ssyncadd.s32 $0xFFFFE000  }
0xca: {  	[hbm4b:s22+s4] =	stream.linear.scatter [tilespmem:s31], [sflag:$0xE], $0x2000, $0x38;
	[tilespmem:$0x1C800] =	vst v63  }
0xcb: {  	_ =	swait.ge [sflag:s1], $0x2000  }
0xcc: {  	[sflag:s1] =	ssyncset.done $0x0  }
0xcd: {  	s24 =	rddreg [dreg:$0xf];
	[sflag:s1] =	ssyncadd.s32 $0xFFFFE000  }
0xce: {  	[hbm4b:s24+s4] =	stream.linear.scatter [tilespmem:s0], [sflag:$0xF], $0x2000, $0x38;
	[tilespmem:$0x1C800] =	vst v63  }
0xcf: {  	_ =	swait.ge [sflag:s5], $0x2000  }
0xd0: {  	[sflag:s5] =	ssyncset.done $0x0  }
0xd1: {  	s26 =	rddreg [dreg:$0x10];
	[sflag:s5] =	ssyncadd.s32 $0xFFFFE000  }
0xd2: {  	[hbm4b:s26+s4] =	stream.linear.scatter [tilespmem:s15], [sflag:$0x10], $0x2000, $0x38;
	[tilespmem:$0x1C800] =	vst v63  }
0xd3: {  	_ =	swait.ge [sflag:s6], $0x2000  }
0xd4: {  	[sflag:s6] =	ssyncset.done $0x0  }
0xd5: {  	[sflag:s6] =	ssyncadd.s32 $0xFFFFE000  }
0xd6: {  	_ =	swait.ge [sflag:s7], $0x2000  }
0xd7: {  	[sflag:s7] =	ssyncset.done $0x0  }
0xd8: {  	[sflag:s7] =	ssyncadd.s32 $0xFFFFE000  }
0xd9: {  	_ =	swait.ge [sflag:s8], $0x2000  }
0xda: {  	[sflag:s8] =	ssyncset.done $0x0  }
0xdb: {  	[sflag:s8] =	ssyncadd.s32 $0xFFFFE000  }
0xdc: {  	_ =	swait.ge [sflag:s9], $0x2000  }
0xdd: {  	[sflag:s9] =	ssyncset.done $0x0  }
0xde: {  	[sflag:s9] =	ssyncadd.s32 $0xFFFFE000  }
0xdf: {  	_ =	swait.ge [sflag:s10], $0x2000  }
0xe0: {  	[sflag:s10] =	ssyncset.done $0x0  }
0xe1: {  	[sflag:s10] =	ssyncadd.s32 $0xFFFFE000  }
0xe2: {  	_ =	swait.ge [sflag:s12], $0x2000  }
0xe3: {  	[sflag:s12] =	ssyncset.done $0x0  }
0xe4: {  	[sflag:s12] =	ssyncadd.s32 $0xFFFFE000  }
0xe5: {  	_ =	swait.ge [sflag:s13], $0x2000  }
0xe6: {  	[sflag:s13] =	ssyncset.done $0x0  }
0xe7: {  	[sflag:s13] =	ssyncadd.s32 $0xFFFFE000  }
0xe8: {  	_ =	swait.ge [sflag:s14], $0x2000  }
0xe9: {  	s29 =	rddreg [dreg:$0x12]  }
0xea: {  	s31 =	rddreg [dreg:$0x11];
	s0 =	sadd.s32 $0x1, s29  }
0xeb: {  	p0 =	sne.s32 s0, s31  }
.Ltmp1:
0xec: {  	_ = 	snop;
	(pc) =	sbr.rel @p0 .LBB2_1-.Ltmp1, $3  }
0xed: {  	_ =	sdelay $0x1  }
0xee: {  	[sflag:s14] =	ssyncset.done $0x0  }
0xef: {  	[sflag:s14] =	ssyncadd.s32 $0xFFFFE000  }
0xf0: {  	_ =	sfence.sel $0x180000  }
0xf1: {  	[bflag:$0x0] =	sbarrier.arrive $0xFFFF  }
0xf2: {  	_ =	strace $0x90000047  }
0xf3: {  	s0 =	stileid.u32;
	[bflag:$0x2] =	sbarrier.arrive $0xFFFF  }
0xf4: {  	p0 =	sne.s32 s0, $0x0;
	s0 =	rddreg [dreg:$0x3]  }
0xf5: {  	s0 =	sadd.s32 @!p0 $0x100000, s0  }
0xf6: {  	[sflag:s0] =	ssyncadd.tile.s32 @!p0 $0x1;
	_ =	shalt  }
.Lfunc_end2:
_tile_overlayer_lowered:
.L_overlay_start_2:
0xf7: {  	(tag) =	ssettag $0x2  }
0xf8: {  	s0 =	rddreg [dreg:$0x0];
	s2 =	stileid.u32  }
0xf9: {  	s1 =	rddreg [dreg:$0x1];
	p0 =	sne.s32 s2, $0x0  }
0xfa: {  	s3 =	rddreg [dreg:$0x2];
	[bflag:$0x3] =	sbarrier.arrive $0xFFFF;
	s2 =	simm.s32 @!p0 $0x1C11  }
0xfb: {  	[timem:s3], [sflag:s2] =	dma.local @!p0 [hbm:s0], s1  }
0xfc: {  	s0 =	simm.s32 @!p0 $0x11  }
0xfd: {  	_ =	swait.ge @!p0 [sflag:s0], s1  }
0xfe: {  	s1 =	ssub.s32 @!p0 $0x0, s1;
	[sflag:s0] =	ssyncset.done @!p0 $0x0  }
0xff: {  	[sflag:s0] =	ssyncadd.s32 @!p0 s1  }
0x100: {  	[bflag:$0x3] =	sbarrier.arrive $0xFFFF  }
0x101: {  	_ =	shalt  }

</sc_bundles>
